<compile_context>
chip_gen: v7x
topology: tpu7x:2x2x1
jax: 0.10.2.dev20260603
libtpu: 0.0.44.dev20260713+nightly
codegen_flags: <defaults>
</compile_context>

<pallas_src>
import functools

import jax
import jax.numpy as jnp
from jax import lax
from jax.experimental import pallas as pl
from jax.experimental.pallas import tpu as pltpu
from jax.experimental.pallas import tpu_sc as plsc

N = 4096
B = 2
BN = 512
NB = N // BN
DP = 8
CH = 1024
NV = CH // 16



def _argmin_body(q_ref, qt_ref, k_ref, kt_ref, o_ref, kk_ref):
    j = pl.program_id(1)

    @pl.when(j == 0)
    def _():
        kt = kt_ref[0, 0]
        kk_ref[0, :] = jnp.sum(kt * kt, axis=0)

    q = q_ref[0, 0]
    k = k_ref[0, 0]
    qt = qt_ref[0, 0]
    qq = jnp.sum(qt * qt, axis=0)
    qkn = lax.dot_general(-2.0 * q, k, (((1,), (1,)), ((), ())),
                          preferred_element_type=jnp.float32)
    d2 = qq[:, None] + qkn + kk_ref[0, :][None, :]
    o_ref[0, 0, :] = jnp.argmin(d2, axis=1).astype(jnp.int32)


_argmin_call = pl.pallas_call(
    _argmin_body,
    grid=(4 * B, NB),
    in_specs=[
        pl.BlockSpec((1, 1, BN, 3), lambda i, j: (i // B, i % B, j, 0)),
        pl.BlockSpec((1, 1, 3, BN), lambda i, j: (i // B, i % B, 0, j)),
        pl.BlockSpec((1, 1, N, 3), lambda i, j: ((i // B) ^ 1, i % B, 0, 0)),
        pl.BlockSpec((1, 1, 3, N), lambda i, j: ((i // B) ^ 1, i % B, 0, 0)),
    ],
    out_specs=pl.BlockSpec((1, 1, BN), lambda i, j: (i, 0, j)),
    out_shape=jax.ShapeDtypeStruct((4 * B, 1, N), jnp.int32),
    scratch_shapes=[pltpu.VMEM((1, N), jnp.float32)],
    compiler_params=pltpu.CompilerParams(
        dimension_semantics=("parallel", "arbitrary")),
)



def _sc_body(pts, nn, li, out,
             gx, gy, gz, dx, dy, dz, ixr, ox, oy, oz, pv, psr,
             sh_th, sh_ps):
    cid = lax.axis_index("c")
    sid = lax.axis_index("s")
    a = sid & 3
    sub = sid >> 2
    c0 = sub * CH

    def plane(s, d):
        return ((s * B + cid) * 3 + d) * N

    def shplane(s, d):
        return (s * 3 + d) * N

    gsrc = a ^ 1
    pltpu.sync_copy(pts.at[pl.ds(plane(gsrc, 0), N)], gx)
    pltpu.sync_copy(pts.at[pl.ds(plane(gsrc, 1), N)], gy)
    pltpu.sync_copy(pts.at[pl.ds(plane(gsrc, 2), N)], gz)
    pltpu.sync_copy(pts.at[pl.ds(plane(a, 0) + c0, CH)], dx)
    pltpu.sync_copy(pts.at[pl.ds(plane(a, 1) + c0, CH)], dy)
    pltpu.sync_copy(pts.at[pl.ds(plane(a, 2) + c0, CH)], dz)
    pltpu.sync_copy(nn.at[pl.ds((a * B + cid) * N + c0, CH)], ixr)

    sgn = jnp.where(a & 1 == 0, jnp.float32(1.0), jnp.float32(-1.0))
    sgv = jnp.full((16,), sgn, jnp.float32)

    def body1(i, _):
        idx = ixr[pl.ds(i * 16, 16)]
        for g, d, o in ((gx, dx, ox), (gy, dy, oy), (gz, dz, oz)):
            gv = plsc.load_gather(g, [idx])
            dv = d[pl.ds(i * 16, 16)]
            o[pl.ds(i * 16, 16)] = sgv * (gv - dv)
        return 0

    lax.fori_loop(0, NV, body1, 0)
    pltpu.sync_copy(ox, sh_th.at[pl.ds(shplane(a, 0) + c0, CH)])
    pltpu.sync_copy(oy, sh_th.at[pl.ds(shplane(a, 1) + c0, CH)])
    pltpu.sync_copy(oz, sh_th.at[pl.ds(shplane(a, 2) + c0, CH)])

    plsc.subcore_barrier()

    darr = ((a & 1) << 1) | (a >> 1)
    garr = darr ^ 2
    pltpu.sync_copy(sh_th.at[pl.ds(shplane(garr, 0), N)], gx)
    pltpu.sync_copy(sh_th.at[pl.ds(shplane(garr, 1), N)], gy)
    pltpu.sync_copy(sh_th.at[pl.ds(shplane(garr, 2), N)], gz)
    pltpu.sync_copy(sh_th.at[pl.ds(shplane(darr, 0) + c0, CH)], dx)
    pltpu.sync_copy(sh_th.at[pl.ds(shplane(darr, 1) + c0, CH)], dy)
    pltpu.sync_copy(sh_th.at[pl.ds(shplane(darr, 2) + c0, CH)], dz)
    pltpu.sync_copy(li.at[pl.ds((a * B + cid) * N + c0, CH)], ixr)

    def body2(i, acc):
        idx = ixr[pl.ds(i * 16, 16)]
        for g, d in ((gx, dx), (gy, dy), (gz, dz)):
            gv = plsc.load_gather(g, [idx])
            dv = d[pl.ds(i * 16, 16)]
            df = dv - gv
            acc = acc + df * df
        return acc

    acc = lax.fori_loop(0, NV, body2, jnp.zeros((16,), jnp.float32))
    pv[...] = acc
    pltpu.sync_copy(pv, sh_ps.at[pl.ds(sid * 16, 16)])

    plsc.subcore_barrier()

    @pl.when(sid == 0)
    def _():
        pltpu.sync_copy(sh_ps, psr)
        tot = jnp.zeros((16,), jnp.float32)
        for i in range(16):
            tot = tot + psr[pl.ds(i * 16, 16)]
        s = jnp.sum(tot) * jnp.float32(0.25 / (B * N))
        pv[...] = jnp.full((16,), s, jnp.float32)
        pltpu.sync_copy(pv, out.at[pl.ds(cid * 16, 16)])


@functools.lru_cache(maxsize=None)
def _sc_call():
  return functools.partial(
    pl.kernel,
    mesh=plsc.VectorSubcoreMesh(core_axis_name="c", subcore_axis_name="s"),
    out_type=jax.ShapeDtypeStruct((2 * 16,), jnp.float32),
    compiler_params=pltpu.CompilerParams(needs_layout_passes=False),
    scratch_types=[
        pltpu.VMEM((N,), jnp.float32),
        pltpu.VMEM((N,), jnp.float32),
        pltpu.VMEM((N,), jnp.float32),
        pltpu.VMEM((CH,), jnp.float32),
        pltpu.VMEM((CH,), jnp.float32),
        pltpu.VMEM((CH,), jnp.float32),
        pltpu.VMEM((CH,), jnp.int32),
        pltpu.VMEM((CH,), jnp.float32),
        pltpu.VMEM((CH,), jnp.float32),
        pltpu.VMEM((CH,), jnp.float32),
        pltpu.VMEM((16,), jnp.float32),
        pltpu.VMEM((16 * 16,), jnp.float32),
        pltpu.VMEM_SHARED((4 * 3 * N,), jnp.float32),
        pltpu.VMEM_SHARED((16 * 16,), jnp.float32),
    ],
  )(_sc_body)



@jax.jit
def kernel(yp_white_pts, yp_pial_pts, yt_white_pts, yt_pial_pts,
           yp_white_idx, yt_white_idx, yp_pial_idx, yt_pial_idx):
    pts4 = jnp.stack([yp_white_pts, yp_pial_pts,
                      yt_white_pts, yt_pial_pts])
    pts4t = jnp.transpose(pts4, (0, 1, 3, 2))

    nn_idx = _argmin_call(pts4, pts4t, pts4, pts4t)

    pts_flat = pts4t.reshape(-1)
    nn_flat = nn_idx.reshape(-1)
    li_flat = jnp.stack([yp_white_idx, yt_white_idx,
                         yp_pial_idx, yt_pial_idx]).astype(jnp.int32).reshape(-1)

    out = _sc_call()(pts_flat, nn_flat, li_flat)
    return out[0] + out[16]

# --- scband reference (transcript-rebuilt; emitter-appended) ---
"""Pipeline reference for scband-symmetric-thickness-loss-31516470018694 (READ-ONLY COPY).

The authoritative reference and input builder live on the scoring server;
editing this copy changes nothing except your own understanding.
"""

import jax, jax.numpy as jnp
import numpy as np


def _nn_index(query, keys):
    # brute-force 1-nearest-neighbor: for each query point, index of nearest key point
    qq = jnp.sum(query * query, axis=-1)            # [B, N]
    kk = jnp.sum(keys * keys, axis=-1)              # [B, M]
    d2 = qq[:, :, None] - 2.0 * jnp.einsum('bnd,bmd->bnm', query, keys) + kk[:, None, :]
    return jnp.argmin(d2, axis=-1)                  # [B, N]


def _thickness_vectors(inner_pts, outer_pts):
    B = inner_pts.shape[0]
    bix = jnp.arange(B)[:, None]
    idx_in = _nn_index(inner_pts, outer_pts)        # nearest outer point for each inner point
    inner_th = outer_pts[bix, idx_in] - inner_pts
    idx_out = _nn_index(outer_pts, inner_pts)       # nearest inner point for each outer point
    outer_th = outer_pts - inner_pts[bix, idx_out]
    return inner_th, outer_th


def _msn(a, b):
    # MeanSquaredNormLoss with w=None, dim=-1
    return jnp.mean(jnp.sum((a - b) ** 2, axis=-1))


def _sym_msn(y_pred, y_true, i_pred, i_true):
    # SymmetricMeanSquaredNormLoss.forward, batch_size > 1 branch
    bix = jnp.arange(y_pred.shape[0])[:, None]
    return 0.5 * (_msn(y_pred, y_true[bix, i_pred]) + _msn(y_pred[bix, i_true], y_true))


def setup_inputs(seed: int = 0) -> dict:
    key = jax.random.key(seed)
    ks = jax.random.split(key, 8)
    B, N = 2, 4096
    inp = {
        'yp_white_pts': jax.random.normal(ks[0], (B, N, 3), dtype=jnp.float32),
        'yp_pial_pts': jax.random.normal(ks[1], (B, N, 3), dtype=jnp.float32),
        'yt_white_pts': jax.random.normal(ks[2], (B, N, 3), dtype=jnp.float32),
        'yt_pial_pts': jax.random.normal(ks[3], (B, N, 3), dtype=jnp.float32),
        'yp_white_idx': jax.random.randint(ks[4], (B, N), 0, N, dtype=jnp.int64) if jax.config.jax_enable_x64 else jax.random.randint(ks[4], (B, N), 0, N).astype(jnp.int32),
        'yt_white_idx': jax.random.randint(ks[5], (B, N), 0, N).astype(jnp.int32),
        'yp_pial_idx': jax.random.randint(ks[6], (B, N), 0, N).astype(jnp.int32),
        'yt_pial_idx': jax.random.randint(ks[7], (B, N), 0, N).astype(jnp.int32),
    }
    inp['yp_white_idx'] = inp['yp_white_idx'].astype(jnp.int32)
    return inp


def reference(yp_white_pts, yp_pial_pts, yt_white_pts, yt_pial_pts,
              yp_white_idx, yt_white_idx, yp_pial_idx, yt_pial_idx):
    # SymmetricThicknessLoss.forward
    yp_inner_th, yp_outer_th = _thickness_vectors(yp_white_pts, yp_pial_pts)
    yt_inner_th, yt_outer_th = _thickness_vectors(yt_white_pts, yt_pial_pts)
    loss = 0.5 * _sym_msn(yp_inner_th, yt_inner_th, yp_white_idx, yt_white_idx) \
         + 0.5 * _sym_msn(yp_outer_th, yt_outer_th, yp_pial_idx, yt_pial_idx)
    return loss

if __name__ == "__main__":
    import jax
    _d = setup_inputs()
    print(jax.jit(kernel)(*tuple(_d.values())))

</pallas_src>

<mosaic_0001>
#map = affine_map<(d0, d1) -> (0)>
module attributes {stable_mosaic.version = 14 : i64} {
  func.func @_sc_body(%arg0: i32, %arg1: i32, %arg2: memref<98304xf32, #tpu.memory_space<hbm>>, %arg3: memref<32768xi32, #tpu.memory_space<hbm>>, %arg4: memref<32768xi32, #tpu.memory_space<hbm>>, %arg5: memref<32xf32, #tpu.memory_space<hbm>>, %arg6: memref<4096xf32, #tpu.memory_space<vmem>>, %arg7: memref<4096xf32, #tpu.memory_space<vmem>>, %arg8: memref<4096xf32, #tpu.memory_space<vmem>>, %arg9: memref<1024xf32, #tpu.memory_space<vmem>>, %arg10: memref<1024xf32, #tpu.memory_space<vmem>>, %arg11: memref<1024xf32, #tpu.memory_space<vmem>>, %arg12: memref<1024xi32, #tpu.memory_space<vmem>>, %arg13: memref<1024xf32, #tpu.memory_space<vmem>>, %arg14: memref<1024xf32, #tpu.memory_space<vmem>>, %arg15: memref<1024xf32, #tpu.memory_space<vmem>>, %arg16: memref<16xf32, #tpu.memory_space<vmem>>, %arg17: memref<256xf32, #tpu.memory_space<vmem>>, %arg18: memref<49152xf32, #tpu.memory_space<vmem_shared>>, %arg19: memref<256xf32, #tpu.memory_space<vmem_shared>>) attributes {dimension_semantics = [#tpu.dimension_semantics<core_parallel>, #tpu.dimension_semantics<subcore_parallel>], iteration_bounds = array<i64: 2, 16>, scalar_prefetch = 0 : i64, scratch_operands = 14 : i64, tpu.core_type = #tpu.core_type<sc_vector_subcore>, window_params = [{transform_indices = #map}, {transform_indices = #map}, {transform_indices = #map}, {transform_indices = #map}]} {
    %and3A = arith.constant 3 : i32
    %and3A_0 = arith.andi %arg1, %and3A : i32
    %shift_right_arithmetic3A = arith.constant 2 : i32
    %shift_right_arithmetic3A_1 = arith.shrsi %arg1, %shift_right_arithmetic3A : i32
    %mul3A = arith.constant 1024 : i32
    %mul3A_2 = arith.muli %shift_right_arithmetic3A_1, %mul3A : i32
    %xor3A = arith.constant 1 : i32
    %xor3A_3 = arith.xori %and3A_0, %xor3A : i32
    %mul3A_4 = arith.constant 2 : i32
    %mul3A_5 = arith.muli %xor3A_3, %mul3A_4 : i32
    %add3A = arith.addi %mul3A_5, %arg0 : i32
    %mul3A_6 = arith.constant 3 : i32
    %mul3A_7 = arith.muli %add3A, %mul3A_6 : i32
    %add3A_8 = arith.constant 0 : i32
    %add3A_9 = arith.addi %mul3A_7, %add3A_8 : i32
    %mul3A_10 = arith.constant 4096 : i32
    %mul3A_11 = arith.muli %add3A_9, %mul3A_10 : i32
    "tpu.region"() ({
      %run_scoped3A = tpu.sem_alloc : memref<!tpu.dma_semaphore, #tpu.memory_space<semaphore_mem>>
      %dma_start3A = tpu.memref_slice %arg2[%mul3A_11] : memref<98304xf32, #tpu.memory_space<hbm>> -> memref<4096xf32, #tpu.memory_space<hbm>>
      %dma_start3A_164 = tpu.memref_slice %arg2[%mul3A_11] : memref<98304xf32, #tpu.memory_space<hbm>> -> memref<4096xf32, #tpu.memory_space<hbm>>
      tpu.enqueue_dma source(%dma_start3A_164 : memref<4096xf32, #tpu.memory_space<hbm>>) target(%arg6 : memref<4096xf32, #tpu.memory_space<vmem>>) target_semaphore(%run_scoped3A : memref<!tpu.dma_semaphore, #tpu.memory_space<semaphore_mem>>)
      %dma_wait3A = tpu.memref_slice %arg2[%mul3A_11] : memref<98304xf32, #tpu.memory_space<hbm>> -> memref<4096xf32, #tpu.memory_space<hbm>>
      %dma_wait3A_165 = tpu.memref_slice %arg2[%mul3A_11] : memref<98304xf32, #tpu.memory_space<hbm>> -> memref<4096xf32, #tpu.memory_space<hbm>>
      tpu.wait_dma2 semaphore(%run_scoped3A : memref<!tpu.dma_semaphore, #tpu.memory_space<semaphore_mem>>) src(%dma_wait3A_165 : memref<4096xf32, #tpu.memory_space<hbm>>) dst(%arg6 : memref<4096xf32, #tpu.memory_space<vmem>>)
      tpu.yield
    }) : () -> ()
    %mul3A_12 = arith.constant 2 : i32
    %mul3A_13 = arith.muli %xor3A_3, %mul3A_12 : i32
    %add3A_14 = arith.addi %mul3A_13, %arg0 : i32
    %mul3A_15 = arith.constant 3 : i32
    %mul3A_16 = arith.muli %add3A_14, %mul3A_15 : i32
    %add3A_17 = arith.constant 1 : i32
    %add3A_18 = arith.addi %mul3A_16, %add3A_17 : i32
    %mul3A_19 = arith.constant 4096 : i32
    %mul3A_20 = arith.muli %add3A_18, %mul3A_19 : i32
    "tpu.region"() ({
      %run_scoped3A = tpu.sem_alloc : memref<!tpu.dma_semaphore, #tpu.memory_space<semaphore_mem>>
      %dma_start3A = tpu.memref_slice %arg2[%mul3A_20] : memref<98304xf32, #tpu.memory_space<hbm>> -> memref<4096xf32, #tpu.memory_space<hbm>>
      %dma_start3A_164 = tpu.memref_slice %arg2[%mul3A_20] : memref<98304xf32, #tpu.memory_space<hbm>> -> memref<4096xf32, #tpu.memory_space<hbm>>
      tpu.enqueue_dma source(%dma_start3A_164 : memref<4096xf32, #tpu.memory_space<hbm>>) target(%arg7 : memref<4096xf32, #tpu.memory_space<vmem>>) target_semaphore(%run_scoped3A : memref<!tpu.dma_semaphore, #tpu.memory_space<semaphore_mem>>)
      %dma_wait3A = tpu.memref_slice %arg2[%mul3A_20] : memref<98304xf32, #tpu.memory_space<hbm>> -> memref<4096xf32, #tpu.memory_space<hbm>>
      %dma_wait3A_165 = tpu.memref_slice %arg2[%mul3A_20] : memref<98304xf32, #tpu.memory_space<hbm>> -> memref<4096xf32, #tpu.memory_space<hbm>>
      tpu.wait_dma2 semaphore(%run_scoped3A : memref<!tpu.dma_semaphore, #tpu.memory_space<semaphore_mem>>) src(%dma_wait3A_165 : memref<4096xf32, #tpu.memory_space<hbm>>) dst(%arg7 : memref<4096xf32, #tpu.memory_space<vmem>>)
      tpu.yield
    }) : () -> ()
    %mul3A_21 = arith.constant 2 : i32
    %mul3A_22 = arith.muli %xor3A_3, %mul3A_21 : i32
    %add3A_23 = arith.addi %mul3A_22, %arg0 : i32
    %mul3A_24 = arith.constant 3 : i32
    %mul3A_25 = arith.muli %add3A_23, %mul3A_24 : i32
    %add3A_26 = arith.constant 2 : i32
    %add3A_27 = arith.addi %mul3A_25, %add3A_26 : i32
    %mul3A_28 = arith.constant 4096 : i32
    %mul3A_29 = arith.muli %add3A_27, %mul3A_28 : i32
    "tpu.region"() ({
      %run_scoped3A = tpu.sem_alloc : memref<!tpu.dma_semaphore, #tpu.memory_space<semaphore_mem>>
      %dma_start3A = tpu.memref_slice %arg2[%mul3A_29] : memref<98304xf32, #tpu.memory_space<hbm>> -> memref<4096xf32, #tpu.memory_space<hbm>>
      %dma_start3A_164 = tpu.memref_slice %arg2[%mul3A_29] : memref<98304xf32, #tpu.memory_space<hbm>> -> memref<4096xf32, #tpu.memory_space<hbm>>
      tpu.enqueue_dma source(%dma_start3A_164 : memref<4096xf32, #tpu.memory_space<hbm>>) target(%arg8 : memref<4096xf32, #tpu.memory_space<vmem>>) target_semaphore(%run_scoped3A : memref<!tpu.dma_semaphore, #tpu.memory_space<semaphore_mem>>)
      %dma_wait3A = tpu.memref_slice %arg2[%mul3A_29] : memref<98304xf32, #tpu.memory_space<hbm>> -> memref<4096xf32, #tpu.memory_space<hbm>>
      %dma_wait3A_165 = tpu.memref_slice %arg2[%mul3A_29] : memref<98304xf32, #tpu.memory_space<hbm>> -> memref<4096xf32, #tpu.memory_space<hbm>>
      tpu.wait_dma2 semaphore(%run_scoped3A : memref<!tpu.dma_semaphore, #tpu.memory_space<semaphore_mem>>) src(%dma_wait3A_165 : memref<4096xf32, #tpu.memory_space<hbm>>) dst(%arg8 : memref<4096xf32, #tpu.memory_space<vmem>>)
      tpu.yield
    }) : () -> ()
    %mul3A_30 = arith.constant 2 : i32
    %mul3A_31 = arith.muli %and3A_0, %mul3A_30 : i32
    %add3A_32 = arith.addi %mul3A_31, %arg0 : i32
    %mul3A_33 = arith.constant 3 : i32
    %mul3A_34 = arith.muli %add3A_32, %mul3A_33 : i32
    %add3A_35 = arith.constant 0 : i32
    %add3A_36 = arith.addi %mul3A_34, %add3A_35 : i32
    %mul3A_37 = arith.constant 4096 : i32
    %mul3A_38 = arith.muli %add3A_36, %mul3A_37 : i32
    %add3A_39 = arith.addi %mul3A_38, %mul3A_2 : i32
    "tpu.region"() ({
      %run_scoped3A = tpu.sem_alloc : memref<!tpu.dma_semaphore, #tpu.memory_space<semaphore_mem>>
      %dma_start3A = tpu.memref_slice %arg2[%add3A_39] : memref<98304xf32, #tpu.memory_space<hbm>> -> memref<1024xf32, #tpu.memory_space<hbm>>
      %dma_start3A_164 = tpu.memref_slice %arg2[%add3A_39] : memref<98304xf32, #tpu.memory_space<hbm>> -> memref<1024xf32, #tpu.memory_space<hbm>>
      tpu.enqueue_dma source(%dma_start3A_164 : memref<1024xf32, #tpu.memory_space<hbm>>) target(%arg9 : memref<1024xf32, #tpu.memory_space<vmem>>) target_semaphore(%run_scoped3A : memref<!tpu.dma_semaphore, #tpu.memory_space<semaphore_mem>>)
      %dma_wait3A = tpu.memref_slice %arg2[%add3A_39] : memref<98304xf32, #tpu.memory_space<hbm>> -> memref<1024xf32, #tpu.memory_space<hbm>>
      %dma_wait3A_165 = tpu.memref_slice %arg2[%add3A_39] : memref<98304xf32, #tpu.memory_space<hbm>> -> memref<1024xf32, #tpu.memory_space<hbm>>
      tpu.wait_dma2 semaphore(%run_scoped3A : memref<!tpu.dma_semaphore, #tpu.memory_space<semaphore_mem>>) src(%dma_wait3A_165 : memref<1024xf32, #tpu.memory_space<hbm>>) dst(%arg9 : memref<1024xf32, #tpu.memory_space<vmem>>)
      tpu.yield
    }) : () -> ()
    %mul3A_40 = arith.constant 2 : i32
    %mul3A_41 = arith.muli %and3A_0, %mul3A_40 : i32
    %add3A_42 = arith.addi %mul3A_41, %arg0 : i32
    %mul3A_43 = arith.constant 3 : i32
    %mul3A_44 = arith.muli %add3A_42, %mul3A_43 : i32
    %add3A_45 = arith.constant 1 : i32
    %add3A_46 = arith.addi %mul3A_44, %add3A_45 : i32
    %mul3A_47 = arith.constant 4096 : i32
    %mul3A_48 = arith.muli %add3A_46, %mul3A_47 : i32
    %add3A_49 = arith.addi %mul3A_48, %mul3A_2 : i32
    "tpu.region"() ({
      %run_scoped3A = tpu.sem_alloc : memref<!tpu.dma_semaphore, #tpu.memory_space<semaphore_mem>>
      %dma_start3A = tpu.memref_slice %arg2[%add3A_49] : memref<98304xf32, #tpu.memory_space<hbm>> -> memref<1024xf32, #tpu.memory_space<hbm>>
      %dma_start3A_164 = tpu.memref_slice %arg2[%add3A_49] : memref<98304xf32, #tpu.memory_space<hbm>> -> memref<1024xf32, #tpu.memory_space<hbm>>
      tpu.enqueue_dma source(%dma_start3A_164 : memref<1024xf32, #tpu.memory_space<hbm>>) target(%arg10 : memref<1024xf32, #tpu.memory_space<vmem>>) target_semaphore(%run_scoped3A : memref<!tpu.dma_semaphore, #tpu.memory_space<semaphore_mem>>)
      %dma_wait3A = tpu.memref_slice %arg2[%add3A_49] : memref<98304xf32, #tpu.memory_space<hbm>> -> memref<1024xf32, #tpu.memory_space<hbm>>
      %dma_wait3A_165 = tpu.memref_slice %arg2[%add3A_49] : memref<98304xf32, #tpu.memory_space<hbm>> -> memref<1024xf32, #tpu.memory_space<hbm>>
      tpu.wait_dma2 semaphore(%run_scoped3A : memref<!tpu.dma_semaphore, #tpu.memory_space<semaphore_mem>>) src(%dma_wait3A_165 : memref<1024xf32, #tpu.memory_space<hbm>>) dst(%arg10 : memref<1024xf32, #tpu.memory_space<vmem>>)
      tpu.yield
    }) : () -> ()
    %mul3A_50 = arith.constant 2 : i32
    %mul3A_51 = arith.muli %and3A_0, %mul3A_50 : i32
    %add3A_52 = arith.addi %mul3A_51, %arg0 : i32
    %mul3A_53 = arith.constant 3 : i32
    %mul3A_54 = arith.muli %add3A_52, %mul3A_53 : i32
    %add3A_55 = arith.constant 2 : i32
    %add3A_56 = arith.addi %mul3A_54, %add3A_55 : i32
    %mul3A_57 = arith.constant 4096 : i32
    %mul3A_58 = arith.muli %add3A_56, %mul3A_57 : i32
    %add3A_59 = arith.addi %mul3A_58, %mul3A_2 : i32
    "tpu.region"() ({
      %run_scoped3A = tpu.sem_alloc : memref<!tpu.dma_semaphore, #tpu.memory_space<semaphore_mem>>
      %dma_start3A = tpu.memref_slice %arg2[%add3A_59] : memref<98304xf32, #tpu.memory_space<hbm>> -> memref<1024xf32, #tpu.memory_space<hbm>>
      %dma_start3A_164 = tpu.memref_slice %arg2[%add3A_59] : memref<98304xf32, #tpu.memory_space<hbm>> -> memref<1024xf32, #tpu.memory_space<hbm>>
      tpu.enqueue_dma source(%dma_start3A_164 : memref<1024xf32, #tpu.memory_space<hbm>>) target(%arg11 : memref<1024xf32, #tpu.memory_space<vmem>>) target_semaphore(%run_scoped3A : memref<!tpu.dma_semaphore, #tpu.memory_space<semaphore_mem>>)
      %dma_wait3A = tpu.memref_slice %arg2[%add3A_59] : memref<98304xf32, #tpu.memory_space<hbm>> -> memref<1024xf32, #tpu.memory_space<hbm>>
      %dma_wait3A_165 = tpu.memref_slice %arg2[%add3A_59] : memref<98304xf32, #tpu.memory_space<hbm>> -> memref<1024xf32, #tpu.memory_space<hbm>>
      tpu.wait_dma2 semaphore(%run_scoped3A : memref<!tpu.dma_semaphore, #tpu.memory_space<semaphore_mem>>) src(%dma_wait3A_165 : memref<1024xf32, #tpu.memory_space<hbm>>) dst(%arg11 : memref<1024xf32, #tpu.memory_space<vmem>>)
      tpu.yield
    }) : () -> ()
    %mul3A_60 = arith.constant 2 : i32
    %mul3A_61 = arith.muli %and3A_0, %mul3A_60 : i32
    %add3A_62 = arith.addi %mul3A_61, %arg0 : i32
    %mul3A_63 = arith.constant 4096 : i32
    %mul3A_64 = arith.muli %add3A_62, %mul3A_63 : i32
    %add3A_65 = arith.addi %mul3A_64, %mul3A_2 : i32
    "tpu.region"() ({
      %run_scoped3A = tpu.sem_alloc : memref<!tpu.dma_semaphore, #tpu.memory_space<semaphore_mem>>
      %dma_start3A = tpu.memref_slice %arg3[%add3A_65] : memref<32768xi32, #tpu.memory_space<hbm>> -> memref<1024xi32, #tpu.memory_space<hbm>>
      %dma_start3A_164 = tpu.memref_slice %arg3[%add3A_65] : memref<32768xi32, #tpu.memory_space<hbm>> -> memref<1024xi32, #tpu.memory_space<hbm>>
      tpu.enqueue_dma source(%dma_start3A_164 : memref<1024xi32, #tpu.memory_space<hbm>>) target(%arg12 : memref<1024xi32, #tpu.memory_space<vmem>>) target_semaphore(%run_scoped3A : memref<!tpu.dma_semaphore, #tpu.memory_space<semaphore_mem>>)
      %dma_wait3A = tpu.memref_slice %arg3[%add3A_65] : memref<32768xi32, #tpu.memory_space<hbm>> -> memref<1024xi32, #tpu.memory_space<hbm>>
      %dma_wait3A_165 = tpu.memref_slice %arg3[%add3A_65] : memref<32768xi32, #tpu.memory_space<hbm>> -> memref<1024xi32, #tpu.memory_space<hbm>>
      tpu.wait_dma2 semaphore(%run_scoped3A : memref<!tpu.dma_semaphore, #tpu.memory_space<semaphore_mem>>) src(%dma_wait3A_165 : memref<1024xi32, #tpu.memory_space<hbm>>) dst(%arg12 : memref<1024xi32, #tpu.memory_space<vmem>>)
      tpu.yield
    }) : () -> ()
    %and3A_66 = arith.constant 1 : i32
    %and3A_67 = arith.andi %and3A_0, %and3A_66 : i32
    %eq3A = arith.constant 0 : i32
    %eq3A_68 = arith.cmpi eq, %and3A_67, %eq3A : i32
    %jit3A = arith.constant 1.000000e+00 : f32
    %jit3A_69 = arith.constant -1.000000e+00 : f32
    %select_n3A = arith.select %eq3A_68, %jit3A, %jit3A_69 : f32
    %broadcast_in_dim3A = vector.broadcast %select_n3A : f32 to vector<16xf32>
    %scan3A = arith.constant 0 : i32
    %scan3A_70 = arith.constant 0 : i32
    %scan3A_71 = arith.constant 64 : i32
    %scan3A_72 = arith.addi %scan3A_70, %scan3A_71 : i32
    %scan3A_73 = arith.constant 1 : i32
    %scan3A_74 = scf.for %scan3A_164 = %scan3A_70 to %scan3A_72 step %scan3A_73 iter_args(%scan3A_165 = %scan3A) -> (i32)  : i32 {
      %mul3A_166 = arith.constant 16 : i32
      %mul3A_167 = arith.muli %scan3A_164, %mul3A_166 : i32
      %get3A = arith.index_cast %mul3A_167 : i32 to index
      %get3A_168 = tpu.vector_load %arg12[%get3A] {strides = array<i32>} : memref<1024xi32, #tpu.memory_space<vmem>>, vector<16xi32>,
      %gather3A = tpu.vector_load_idx %arg6[%get3A_168] : memref<4096xf32, #tpu.memory_space<vmem>>[vector<16xi32>], vector<16xf32>,
      %mul3A_169 = arith.constant 16 : i32
      %mul3A_170 = arith.muli %scan3A_164, %mul3A_169 : i32
      %get3A_171 = arith.index_cast %mul3A_170 : i32 to index
      %get3A_172 = tpu.vector_load %arg9[%get3A_171] {strides = array<i32>} : memref<1024xf32, #tpu.memory_space<vmem>>, vector<16xf32>,
      %sub3A = arith.subf %gather3A, %get3A_172 : vector<16xf32>
      %mul3A_173 = arith.mulf %broadcast_in_dim3A, %sub3A : vector<16xf32>
      %mul3A_174 = arith.constant 16 : i32
      %mul3A_175 = arith.muli %scan3A_164, %mul3A_174 : i32
      %swap3A_176 = arith.index_cast %mul3A_175 : i32 to index
      %swap3A_177 = tpu.vector_load %arg13[%swap3A_176] {strides = array<i32>} : memref<1024xf32, #tpu.memory_space<vmem>>, vector<16xf32>,
      tpu.vector_store %arg13[%swap3A_176], %mul3A_173 {strides = array<i32>} : memref<1024xf32, #tpu.memory_space<vmem>>, vector<16xf32>,
      %gather3A_178 = tpu.vector_load_idx %arg7[%get3A_168] : memref<4096xf32, #tpu.memory_space<vmem>>[vector<16xi32>], vector<16xf32>,
      %mul3A_179 = arith.constant 16 : i32
      %mul3A_180 = arith.muli %scan3A_164, %mul3A_179 : i32
      %get3A_181 = arith.index_cast %mul3A_180 : i32 to index
      %get3A_182 = tpu.vector_load %arg10[%get3A_181] {strides = array<i32>} : memref<1024xf32, #tpu.memory_space<vmem>>, vector<16xf32>,
      %sub3A_183 = arith.subf %gather3A_178, %get3A_182 : vector<16xf32>
      %mul3A_184 = arith.mulf %broadcast_in_dim3A, %sub3A_183 : vector<16xf32>
      %mul3A_185 = arith.constant 16 : i32
      %mul3A_186 = arith.muli %scan3A_164, %mul3A_185 : i32
      %swap3A_187 = arith.index_cast %mul3A_186 : i32 to index
      %swap3A_188 = tpu.vector_load %arg14[%swap3A_187] {strides = array<i32>} : memref<1024xf32, #tpu.memory_space<vmem>>, vector<16xf32>,
      tpu.vector_store %arg14[%swap3A_187], %mul3A_184 {strides = array<i32>} : memref<1024xf32, #tpu.memory_space<vmem>>, vector<16xf32>,
      %gather3A_189 = tpu.vector_load_idx %arg8[%get3A_168] : memref<4096xf32, #tpu.memory_space<vmem>>[vector<16xi32>], vector<16xf32>,
      %mul3A_190 = arith.constant 16 : i32
      %mul3A_191 = arith.muli %scan3A_164, %mul3A_190 : i32
      %get3A_192 = arith.index_cast %mul3A_191 : i32 to index
      %get3A_193 = tpu.vector_load %arg11[%get3A_192] {strides = array<i32>} : memref<1024xf32, #tpu.memory_space<vmem>>, vector<16xf32>,
      %sub3A_194 = arith.subf %gather3A_189, %get3A_193 : vector<16xf32>
      %mul3A_195 = arith.mulf %broadcast_in_dim3A, %sub3A_194 : vector<16xf32>
      %mul3A_196 = arith.constant 16 : i32
      %mul3A_197 = arith.muli %scan3A_164, %mul3A_196 : i32
      %swap3A_198 = arith.index_cast %mul3A_197 : i32 to index
      %swap3A_199 = tpu.vector_load %arg15[%swap3A_198] {strides = array<i32>} : memref<1024xf32, #tpu.memory_space<vmem>>, vector<16xf32>,
      tpu.vector_store %arg15[%swap3A_198], %mul3A_195 {strides = array<i32>} : memref<1024xf32, #tpu.memory_space<vmem>>, vector<16xf32>,
      %scan3A_200 = arith.constant 0 : i32
      scf.yield %scan3A_200 : i32
    }
    %scan3A_75 = arith.constant 64 : i32
    %mul3A_76 = arith.constant 3 : i32
    %mul3A_77 = arith.muli %and3A_0, %mul3A_76 : i32
    %add3A_78 = arith.constant 0 : i32
    %add3A_79 = arith.addi %mul3A_77, %add3A_78 : i32
    %mul3A_80 = arith.constant 4096 : i32
    %mul3A_81 = arith.muli %add3A_79, %mul3A_80 : i32
    %add3A_82 = arith.addi %mul3A_81, %mul3A_2 : i32
    "tpu.region"() ({
      %run_scoped3A = tpu.sem_alloc : memref<!tpu.dma_semaphore, #tpu.memory_space<semaphore_mem>>
      %dma_start3A = tpu.memref_slice %arg18[%add3A_82] : memref<49152xf32, #tpu.memory_space<vmem_shared>> -> memref<1024xf32, #tpu.memory_space<vmem_shared>>
      %dma_start3A_164 = tpu.memref_slice %arg18[%add3A_82] : memref<49152xf32, #tpu.memory_space<vmem_shared>> -> memref<1024xf32, #tpu.memory_space<vmem_shared>>
      tpu.enqueue_dma source(%arg13 : memref<1024xf32, #tpu.memory_space<vmem>>) target(%dma_start3A_164 : memref<1024xf32, #tpu.memory_space<vmem_shared>>) target_semaphore(%run_scoped3A : memref<!tpu.dma_semaphore, #tpu.memory_space<semaphore_mem>>)
      %dma_wait3A = tpu.memref_slice %arg18[%add3A_82] : memref<49152xf32, #tpu.memory_space<vmem_shared>> -> memref<1024xf32, #tpu.memory_space<vmem_shared>>
      %dma_wait3A_165 = tpu.memref_slice %arg18[%add3A_82] : memref<49152xf32, #tpu.memory_space<vmem_shared>> -> memref<1024xf32, #tpu.memory_space<vmem_shared>>
      tpu.wait_dma2 semaphore(%run_scoped3A : memref<!tpu.dma_semaphore, #tpu.memory_space<semaphore_mem>>) src(%arg13 : memref<1024xf32, #tpu.memory_space<vmem>>) dst(%dma_wait3A_165 : memref<1024xf32, #tpu.memory_space<vmem_shared>>)
      tpu.yield
    }) : () -> ()
    %mul3A_83 = arith.constant 3 : i32
    %mul3A_84 = arith.muli %and3A_0, %mul3A_83 : i32
    %add3A_85 = arith.constant 1 : i32
    %add3A_86 = arith.addi %mul3A_84, %add3A_85 : i32
    %mul3A_87 = arith.constant 4096 : i32
    %mul3A_88 = arith.muli %add3A_86, %mul3A_87 : i32
    %add3A_89 = arith.addi %mul3A_88, %mul3A_2 : i32
    "tpu.region"() ({
      %run_scoped3A = tpu.sem_alloc : memref<!tpu.dma_semaphore, #tpu.memory_space<semaphore_mem>>
      %dma_start3A = tpu.memref_slice %arg18[%add3A_89] : memref<49152xf32, #tpu.memory_space<vmem_shared>> -> memref<1024xf32, #tpu.memory_space<vmem_shared>>
      %dma_start3A_164 = tpu.memref_slice %arg18[%add3A_89] : memref<49152xf32, #tpu.memory_space<vmem_shared>> -> memref<1024xf32, #tpu.memory_space<vmem_shared>>
      tpu.enqueue_dma source(%arg14 : memref<1024xf32, #tpu.memory_space<vmem>>) target(%dma_start3A_164 : memref<1024xf32, #tpu.memory_space<vmem_shared>>) target_semaphore(%run_scoped3A : memref<!tpu.dma_semaphore, #tpu.memory_space<semaphore_mem>>)
      %dma_wait3A = tpu.memref_slice %arg18[%add3A_89] : memref<49152xf32, #tpu.memory_space<vmem_shared>> -> memref<1024xf32, #tpu.memory_space<vmem_shared>>
      %dma_wait3A_165 = tpu.memref_slice %arg18[%add3A_89] : memref<49152xf32, #tpu.memory_space<vmem_shared>> -> memref<1024xf32, #tpu.memory_space<vmem_shared>>
      tpu.wait_dma2 semaphore(%run_scoped3A : memref<!tpu.dma_semaphore, #tpu.memory_space<semaphore_mem>>) src(%arg14 : memref<1024xf32, #tpu.memory_space<vmem>>) dst(%dma_wait3A_165 : memref<1024xf32, #tpu.memory_space<vmem_shared>>)
      tpu.yield
    }) : () -> ()
    %mul3A_90 = arith.constant 3 : i32
    %mul3A_91 = arith.muli %and3A_0, %mul3A_90 : i32
    %add3A_92 = arith.constant 2 : i32
    %add3A_93 = arith.addi %mul3A_91, %add3A_92 : i32
    %mul3A_94 = arith.constant 4096 : i32
    %mul3A_95 = arith.muli %add3A_93, %mul3A_94 : i32
    %add3A_96 = arith.addi %mul3A_95, %mul3A_2 : i32
    "tpu.region"() ({
      %run_scoped3A = tpu.sem_alloc : memref<!tpu.dma_semaphore, #tpu.memory_space<semaphore_mem>>
      %dma_start3A = tpu.memref_slice %arg18[%add3A_96] : memref<49152xf32, #tpu.memory_space<vmem_shared>> -> memref<1024xf32, #tpu.memory_space<vmem_shared>>
      %dma_start3A_164 = tpu.memref_slice %arg18[%add3A_96] : memref<49152xf32, #tpu.memory_space<vmem_shared>> -> memref<1024xf32, #tpu.memory_space<vmem_shared>>
      tpu.enqueue_dma source(%arg15 : memref<1024xf32, #tpu.memory_space<vmem>>) target(%dma_start3A_164 : memref<1024xf32, #tpu.memory_space<vmem_shared>>) target_semaphore(%run_scoped3A : memref<!tpu.dma_semaphore, #tpu.memory_space<semaphore_mem>>)
      %dma_wait3A = tpu.memref_slice %arg18[%add3A_96] : memref<49152xf32, #tpu.memory_space<vmem_shared>> -> memref<1024xf32, #tpu.memory_space<vmem_shared>>
      %dma_wait3A_165 = tpu.memref_slice %arg18[%add3A_96] : memref<49152xf32, #tpu.memory_space<vmem_shared>> -> memref<1024xf32, #tpu.memory_space<vmem_shared>>
      tpu.wait_dma2 semaphore(%run_scoped3A : memref<!tpu.dma_semaphore, #tpu.memory_space<semaphore_mem>>) src(%arg15 : memref<1024xf32, #tpu.memory_space<vmem>>) dst(%dma_wait3A_165 : memref<1024xf32, #tpu.memory_space<vmem_shared>>)
      tpu.yield
    }) : () -> ()
    %barrier3A = arith.constant 0 : index
    tpu.barrier barrier_id(%barrier3A)
    %and3A_97 = arith.constant 1 : i32
    %and3A_98 = arith.andi %and3A_0, %and3A_97 : i32
    %shift_left3A = arith.constant 1 : i32
    %shift_left3A_99 = arith.shli %and3A_98, %shift_left3A : i32
    %shift_right_arithmetic3A_100 = arith.constant 1 : i32
    %shift_right_arithmetic3A_101 = arith.shrsi %and3A_0, %shift_right_arithmetic3A_100 : i32
    %or3A = arith.ori %shift_left3A_99, %shift_right_arithmetic3A_101 : i32
    %xor3A_102 = arith.constant 2 : i32
    %xor3A_103 = arith.xori %or3A, %xor3A_102 : i32
    %mul3A_104 = arith.constant 3 : i32
    %mul3A_105 = arith.muli %xor3A_103, %mul3A_104 : i32
    %add3A_106 = arith.constant 0 : i32
    %add3A_107 = arith.addi %mul3A_105, %add3A_106 : i32
    %mul3A_108 = arith.constant 4096 : i32
    %mul3A_109 = arith.muli %add3A_107, %mul3A_108 : i32
    "tpu.region"() ({
      %run_scoped3A = tpu.sem_alloc : memref<!tpu.dma_semaphore, #tpu.memory_space<semaphore_mem>>
      %dma_start3A = tpu.memref_slice %arg18[%mul3A_109] : memref<49152xf32, #tpu.memory_space<vmem_shared>> -> memref<4096xf32, #tpu.memory_space<vmem_shared>>
      %dma_start3A_164 = tpu.memref_slice %arg18[%mul3A_109] : memref<49152xf32, #tpu.memory_space<vmem_shared>> -> memref<4096xf32, #tpu.memory_space<vmem_shared>>
      tpu.enqueue_dma source(%dma_start3A_164 : memref<4096xf32, #tpu.memory_space<vmem_shared>>) target(%arg6 : memref<4096xf32, #tpu.memory_space<vmem>>) target_semaphore(%run_scoped3A : memref<!tpu.dma_semaphore, #tpu.memory_space<semaphore_mem>>)
      %dma_wait3A = tpu.memref_slice %arg18[%mul3A_109] : memref<49152xf32, #tpu.memory_space<vmem_shared>> -> memref<4096xf32, #tpu.memory_space<vmem_shared>>
      %dma_wait3A_165 = tpu.memref_slice %arg18[%mul3A_109] : memref<49152xf32, #tpu.memory_space<vmem_shared>> -> memref<4096xf32, #tpu.memory_space<vmem_shared>>
      tpu.wait_dma2 semaphore(%run_scoped3A : memref<!tpu.dma_semaphore, #tpu.memory_space<semaphore_mem>>) src(%dma_wait3A_165 : memref<4096xf32, #tpu.memory_space<vmem_shared>>) dst(%arg6 : memref<4096xf32, #tpu.memory_space<vmem>>)
      tpu.yield
    }) : () -> ()
    %mul3A_110 = arith.constant 3 : i32
    %mul3A_111 = arith.muli %xor3A_103, %mul3A_110 : i32
    %add3A_112 = arith.constant 1 : i32
    %add3A_113 = arith.addi %mul3A_111, %add3A_112 : i32
    %mul3A_114 = arith.constant 4096 : i32
    %mul3A_115 = arith.muli %add3A_113, %mul3A_114 : i32
    "tpu.region"() ({
      %run_scoped3A = tpu.sem_alloc : memref<!tpu.dma_semaphore, #tpu.memory_space<semaphore_mem>>
      %dma_start3A = tpu.memref_slice %arg18[%mul3A_115] : memref<49152xf32, #tpu.memory_space<vmem_shared>> -> memref<4096xf32, #tpu.memory_space<vmem_shared>>
      %dma_start3A_164 = tpu.memref_slice %arg18[%mul3A_115] : memref<49152xf32, #tpu.memory_space<vmem_shared>> -> memref<4096xf32, #tpu.memory_space<vmem_shared>>
      tpu.enqueue_dma source(%dma_start3A_164 : memref<4096xf32, #tpu.memory_space<vmem_shared>>) target(%arg7 : memref<4096xf32, #tpu.memory_space<vmem>>) target_semaphore(%run_scoped3A : memref<!tpu.dma_semaphore, #tpu.memory_space<semaphore_mem>>)
      %dma_wait3A = tpu.memref_slice %arg18[%mul3A_115] : memref<49152xf32, #tpu.memory_space<vmem_shared>> -> memref<4096xf32, #tpu.memory_space<vmem_shared>>
      %dma_wait3A_165 = tpu.memref_slice %arg18[%mul3A_115] : memref<49152xf32, #tpu.memory_space<vmem_shared>> -> memref<4096xf32, #tpu.memory_space<vmem_shared>>
      tpu.wait_dma2 semaphore(%run_scoped3A : memref<!tpu.dma_semaphore, #tpu.memory_space<semaphore_mem>>) src(%dma_wait3A_165 : memref<4096xf32, #tpu.memory_space<vmem_shared>>) dst(%arg7 : memref<4096xf32, #tpu.memory_space<vmem>>)
      tpu.yield
    }) : () -> ()
    %mul3A_116 = arith.constant 3 : i32
    %mul3A_117 = arith.muli %xor3A_103, %mul3A_116 : i32
    %add3A_118 = arith.constant 2 : i32
    %add3A_119 = arith.addi %mul3A_117, %add3A_118 : i32
    %mul3A_120 = arith.constant 4096 : i32
    %mul3A_121 = arith.muli %add3A_119, %mul3A_120 : i32
    "tpu.region"() ({
      %run_scoped3A = tpu.sem_alloc : memref<!tpu.dma_semaphore, #tpu.memory_space<semaphore_mem>>
      %dma_start3A = tpu.memref_slice %arg18[%mul3A_121] : memref<49152xf32, #tpu.memory_space<vmem_shared>> -> memref<4096xf32, #tpu.memory_space<vmem_shared>>
      %dma_start3A_164 = tpu.memref_slice %arg18[%mul3A_121] : memref<49152xf32, #tpu.memory_space<vmem_shared>> -> memref<4096xf32, #tpu.memory_space<vmem_shared>>
      tpu.enqueue_dma source(%dma_start3A_164 : memref<4096xf32, #tpu.memory_space<vmem_shared>>) target(%arg8 : memref<4096xf32, #tpu.memory_space<vmem>>) target_semaphore(%run_scoped3A : memref<!tpu.dma_semaphore, #tpu.memory_space<semaphore_mem>>)
      %dma_wait3A = tpu.memref_slice %arg18[%mul3A_121] : memref<49152xf32, #tpu.memory_space<vmem_shared>> -> memref<4096xf32, #tpu.memory_space<vmem_shared>>
      %dma_wait3A_165 = tpu.memref_slice %arg18[%mul3A_121] : memref<49152xf32, #tpu.memory_space<vmem_shared>> -> memref<4096xf32, #tpu.memory_space<vmem_shared>>
      tpu.wait_dma2 semaphore(%run_scoped3A : memref<!tpu.dma_semaphore, #tpu.memory_space<semaphore_mem>>) src(%dma_wait3A_165 : memref<4096xf32, #tpu.memory_space<vmem_shared>>) dst(%arg8 : memref<4096xf32, #tpu.memory_space<vmem>>)
      tpu.yield
    }) : () -> ()
    %mul3A_122 = arith.constant 3 : i32
    %mul3A_123 = arith.muli %or3A, %mul3A_122 : i32
    %add3A_124 = arith.constant 0 : i32
    %add3A_125 = arith.addi %mul3A_123, %add3A_124 : i32
    %mul3A_126 = arith.constant 4096 : i32
    %mul3A_127 = arith.muli %add3A_125, %mul3A_126 : i32
    %add3A_128 = arith.addi %mul3A_127, %mul3A_2 : i32
    "tpu.region"() ({
      %run_scoped3A = tpu.sem_alloc : memref<!tpu.dma_semaphore, #tpu.memory_space<semaphore_mem>>
      %dma_start3A = tpu.memref_slice %arg18[%add3A_128] : memref<49152xf32, #tpu.memory_space<vmem_shared>> -> memref<1024xf32, #tpu.memory_space<vmem_shared>>
      %dma_start3A_164 = tpu.memref_slice %arg18[%add3A_128] : memref<49152xf32, #tpu.memory_space<vmem_shared>> -> memref<1024xf32, #tpu.memory_space<vmem_shared>>
      tpu.enqueue_dma source(%dma_start3A_164 : memref<1024xf32, #tpu.memory_space<vmem_shared>>) target(%arg9 : memref<1024xf32, #tpu.memory_space<vmem>>) target_semaphore(%run_scoped3A : memref<!tpu.dma_semaphore, #tpu.memory_space<semaphore_mem>>)
      %dma_wait3A = tpu.memref_slice %arg18[%add3A_128] : memref<49152xf32, #tpu.memory_space<vmem_shared>> -> memref<1024xf32, #tpu.memory_space<vmem_shared>>
      %dma_wait3A_165 = tpu.memref_slice %arg18[%add3A_128] : memref<49152xf32, #tpu.memory_space<vmem_shared>> -> memref<1024xf32, #tpu.memory_space<vmem_shared>>
      tpu.wait_dma2 semaphore(%run_scoped3A : memref<!tpu.dma_semaphore, #tpu.memory_space<semaphore_mem>>) src(%dma_wait3A_165 : memref<1024xf32, #tpu.memory_space<vmem_shared>>) dst(%arg9 : memref<1024xf32, #tpu.memory_space<vmem>>)
      tpu.yield
    }) : () -> ()
    %mul3A_129 = arith.constant 3 : i32
    %mul3A_130 = arith.muli %or3A, %mul3A_129 : i32
    %add3A_131 = arith.constant 1 : i32
    %add3A_132 = arith.addi %mul3A_130, %add3A_131 : i32
    %mul3A_133 = arith.constant 4096 : i32
    %mul3A_134 = arith.muli %add3A_132, %mul3A_133 : i32
    %add3A_135 = arith.addi %mul3A_134, %mul3A_2 : i32
    "tpu.region"() ({
      %run_scoped3A = tpu.sem_alloc : memref<!tpu.dma_semaphore, #tpu.memory_space<semaphore_mem>>
      %dma_start3A = tpu.memref_slice %arg18[%add3A_135] : memref<49152xf32, #tpu.memory_space<vmem_shared>> -> memref<1024xf32, #tpu.memory_space<vmem_shared>>
      %dma_start3A_164 = tpu.memref_slice %arg18[%add3A_135] : memref<49152xf32, #tpu.memory_space<vmem_shared>> -> memref<1024xf32, #tpu.memory_space<vmem_shared>>
      tpu.enqueue_dma source(%dma_start3A_164 : memref<1024xf32, #tpu.memory_space<vmem_shared>>) target(%arg10 : memref<1024xf32, #tpu.memory_space<vmem>>) target_semaphore(%run_scoped3A : memref<!tpu.dma_semaphore, #tpu.memory_space<semaphore_mem>>)
      %dma_wait3A = tpu.memref_slice %arg18[%add3A_135] : memref<49152xf32, #tpu.memory_space<vmem_shared>> -> memref<1024xf32, #tpu.memory_space<vmem_shared>>
      %dma_wait3A_165 = tpu.memref_slice %arg18[%add3A_135] : memref<49152xf32, #tpu.memory_space<vmem_shared>> -> memref<1024xf32, #tpu.memory_space<vmem_shared>>
      tpu.wait_dma2 semaphore(%run_scoped3A : memref<!tpu.dma_semaphore, #tpu.memory_space<semaphore_mem>>) src(%dma_wait3A_165 : memref<1024xf32, #tpu.memory_space<vmem_shared>>) dst(%arg10 : memref<1024xf32, #tpu.memory_space<vmem>>)
      tpu.yield
    }) : () -> ()
    %mul3A_136 = arith.constant 3 : i32
    %mul3A_137 = arith.muli %or3A, %mul3A_136 : i32
    %add3A_138 = arith.constant 2 : i32
    %add3A_139 = arith.addi %mul3A_137, %add3A_138 : i32
    %mul3A_140 = arith.constant 4096 : i32
    %mul3A_141 = arith.muli %add3A_139, %mul3A_140 : i32
    %add3A_142 = arith.addi %mul3A_141, %mul3A_2 : i32
    "tpu.region"() ({
      %run_scoped3A = tpu.sem_alloc : memref<!tpu.dma_semaphore, #tpu.memory_space<semaphore_mem>>
      %dma_start3A = tpu.memref_slice %arg18[%add3A_142] : memref<49152xf32, #tpu.memory_space<vmem_shared>> -> memref<1024xf32, #tpu.memory_space<vmem_shared>>
      %dma_start3A_164 = tpu.memref_slice %arg18[%add3A_142] : memref<49152xf32, #tpu.memory_space<vmem_shared>> -> memref<1024xf32, #tpu.memory_space<vmem_shared>>
      tpu.enqueue_dma source(%dma_start3A_164 : memref<1024xf32, #tpu.memory_space<vmem_shared>>) target(%arg11 : memref<1024xf32, #tpu.memory_space<vmem>>) target_semaphore(%run_scoped3A : memref<!tpu.dma_semaphore, #tpu.memory_space<semaphore_mem>>)
      %dma_wait3A = tpu.memref_slice %arg18[%add3A_142] : memref<49152xf32, #tpu.memory_space<vmem_shared>> -> memref<1024xf32, #tpu.memory_space<vmem_shared>>
      %dma_wait3A_165 = tpu.memref_slice %arg18[%add3A_142] : memref<49152xf32, #tpu.memory_space<vmem_shared>> -> memref<1024xf32, #tpu.memory_space<vmem_shared>>
      tpu.wait_dma2 semaphore(%run_scoped3A : memref<!tpu.dma_semaphore, #tpu.memory_space<semaphore_mem>>) src(%dma_wait3A_165 : memref<1024xf32, #tpu.memory_space<vmem_shared>>) dst(%arg11 : memref<1024xf32, #tpu.memory_space<vmem>>)
      tpu.yield
    }) : () -> ()
    %mul3A_143 = arith.constant 2 : i32
    %mul3A_144 = arith.muli %and3A_0, %mul3A_143 : i32
    %add3A_145 = arith.addi %mul3A_144, %arg0 : i32
    %mul3A_146 = arith.constant 4096 : i32
    %mul3A_147 = arith.muli %add3A_145, %mul3A_146 : i32
    %add3A_148 = arith.addi %mul3A_147, %mul3A_2 : i32
    "tpu.region"() ({
      %run_scoped3A = tpu.sem_alloc : memref<!tpu.dma_semaphore, #tpu.memory_space<semaphore_mem>>
      %dma_start3A = tpu.memref_slice %arg4[%add3A_148] : memref<32768xi32, #tpu.memory_space<hbm>> -> memref<1024xi32, #tpu.memory_space<hbm>>
      %dma_start3A_164 = tpu.memref_slice %arg4[%add3A_148] : memref<32768xi32, #tpu.memory_space<hbm>> -> memref<1024xi32, #tpu.memory_space<hbm>>
      tpu.enqueue_dma source(%dma_start3A_164 : memref<1024xi32, #tpu.memory_space<hbm>>) target(%arg12 : memref<1024xi32, #tpu.memory_space<vmem>>) target_semaphore(%run_scoped3A : memref<!tpu.dma_semaphore, #tpu.memory_space<semaphore_mem>>)
      %dma_wait3A = tpu.memref_slice %arg4[%add3A_148] : memref<32768xi32, #tpu.memory_space<hbm>> -> memref<1024xi32, #tpu.memory_space<hbm>>
      %dma_wait3A_165 = tpu.memref_slice %arg4[%add3A_148] : memref<32768xi32, #tpu.memory_space<hbm>> -> memref<1024xi32, #tpu.memory_space<hbm>>
      tpu.wait_dma2 semaphore(%run_scoped3A : memref<!tpu.dma_semaphore, #tpu.memory_space<semaphore_mem>>) src(%dma_wait3A_165 : memref<1024xi32, #tpu.memory_space<hbm>>) dst(%arg12 : memref<1024xi32, #tpu.memory_space<vmem>>)
      tpu.yield
    }) : () -> ()
    %broadcast_in_dim3A_149 = arith.constant 0.000000e+00 : f32
    %broadcast_in_dim3A_150 = vector.broadcast %broadcast_in_dim3A_149 : f32 to vector<16xf32>
    %scan3A_151 = arith.constant 0 : i32
    %scan3A_152 = arith.constant 64 : i32
    %scan3A_153 = arith.addi %scan3A_151, %scan3A_152 : i32
    %scan3A_154 = arith.constant 1 : i32
    %scan3A_155 = scf.for %scan3A_164 = %scan3A_151 to %scan3A_153 step %scan3A_154 iter_args(%scan3A_165 = %broadcast_in_dim3A_150) -> (vector<16xf32>)  : i32 {
      %mul3A_166 = arith.constant 16 : i32
      %mul3A_167 = arith.muli %scan3A_164, %mul3A_166 : i32
      %get3A = arith.index_cast %mul3A_167 : i32 to index
      %get3A_168 = tpu.vector_load %arg12[%get3A] {strides = array<i32>} : memref<1024xi32, #tpu.memory_space<vmem>>, vector<16xi32>,
      %gather3A = tpu.vector_load_idx %arg6[%get3A_168] : memref<4096xf32, #tpu.memory_space<vmem>>[vector<16xi32>], vector<16xf32>,
      %mul3A_169 = arith.constant 16 : i32
      %mul3A_170 = arith.muli %scan3A_164, %mul3A_169 : i32
      %get3A_171 = arith.index_cast %mul3A_170 : i32 to index
      %get3A_172 = tpu.vector_load %arg9[%get3A_171] {strides = array<i32>} : memref<1024xf32, #tpu.memory_space<vmem>>, vector<16xf32>,
      %sub3A = arith.subf %get3A_172, %gather3A : vector<16xf32>
      %mul3A_173 = arith.mulf %sub3A, %sub3A : vector<16xf32>
      %add3A_174 = arith.addf %scan3A_165, %mul3A_173 : vector<16xf32>
      %gather3A_175 = tpu.vector_load_idx %arg7[%get3A_168] : memref<4096xf32, #tpu.memory_space<vmem>>[vector<16xi32>], vector<16xf32>,
      %mul3A_176 = arith.constant 16 : i32
      %mul3A_177 = arith.muli %scan3A_164, %mul3A_176 : i32
      %get3A_178 = arith.index_cast %mul3A_177 : i32 to index
      %get3A_179 = tpu.vector_load %arg10[%get3A_178] {strides = array<i32>} : memref<1024xf32, #tpu.memory_space<vmem>>, vector<16xf32>,
      %sub3A_180 = arith.subf %get3A_179, %gather3A_175 : vector<16xf32>
      %mul3A_181 = arith.mulf %sub3A_180, %sub3A_180 : vector<16xf32>
      %add3A_182 = arith.addf %add3A_174, %mul3A_181 : vector<16xf32>
      %gather3A_183 = tpu.vector_load_idx %arg8[%get3A_168] : memref<4096xf32, #tpu.memory_space<vmem>>[vector<16xi32>], vector<16xf32>,
      %mul3A_184 = arith.constant 16 : i32
      %mul3A_185 = arith.muli %scan3A_164, %mul3A_184 : i32
      %get3A_186 = arith.index_cast %mul3A_185 : i32 to index
      %get3A_187 = tpu.vector_load %arg11[%get3A_186] {strides = array<i32>} : memref<1024xf32, #tpu.memory_space<vmem>>, vector<16xf32>,
      %sub3A_188 = arith.subf %get3A_187, %gather3A_183 : vector<16xf32>
      %mul3A_189 = arith.mulf %sub3A_188, %sub3A_188 : vector<16xf32>
      %add3A_190 = arith.addf %add3A_182, %mul3A_189 : vector<16xf32>
      scf.yield %add3A_190 : vector<16xf32>
    }
    %scan3A_156 = arith.constant 64 : i32
    %swap3A = arith.constant 0 : index
    %swap3A_157 = tpu.vector_load %arg16[%swap3A] {strides = array<i32>} : memref<16xf32, #tpu.memory_space<vmem>>, vector<16xf32>,
    tpu.vector_store %arg16[%swap3A], %scan3A_155 {strides = array<i32>} : memref<16xf32, #tpu.memory_space<vmem>>, vector<16xf32>,
    %mul3A_158 = arith.constant 16 : i32
    %mul3A_159 = arith.muli %arg1, %mul3A_158 : i32
    "tpu.region"() ({
      %run_scoped3A = tpu.sem_alloc : memref<!tpu.dma_semaphore, #tpu.memory_space<semaphore_mem>>
      %dma_start3A = tpu.memref_slice %arg19[%mul3A_159] : memref<256xf32, #tpu.memory_space<vmem_shared>> -> memref<16xf32, #tpu.memory_space<vmem_shared>>
      %dma_start3A_164 = tpu.memref_slice %arg19[%mul3A_159] : memref<256xf32, #tpu.memory_space<vmem_shared>> -> memref<16xf32, #tpu.memory_space<vmem_shared>>
      tpu.enqueue_dma source(%arg16 : memref<16xf32, #tpu.memory_space<vmem>>) target(%dma_start3A_164 : memref<16xf32, #tpu.memory_space<vmem_shared>>) target_semaphore(%run_scoped3A : memref<!tpu.dma_semaphore, #tpu.memory_space<semaphore_mem>>)
      %dma_wait3A = tpu.memref_slice %arg19[%mul3A_159] : memref<256xf32, #tpu.memory_space<vmem_shared>> -> memref<16xf32, #tpu.memory_space<vmem_shared>>
      %dma_wait3A_165 = tpu.memref_slice %arg19[%mul3A_159] : memref<256xf32, #tpu.memory_space<vmem_shared>> -> memref<16xf32, #tpu.memory_space<vmem_shared>>
      tpu.wait_dma2 semaphore(%run_scoped3A : memref<!tpu.dma_semaphore, #tpu.memory_space<semaphore_mem>>) src(%arg16 : memref<16xf32, #tpu.memory_space<vmem>>) dst(%dma_wait3A_165 : memref<16xf32, #tpu.memory_space<vmem_shared>>)
      tpu.yield
    }) : () -> ()
    %barrier3A_160 = arith.constant 0 : index
    tpu.barrier barrier_id(%barrier3A_160)
    %eq3A_161 = arith.constant 0 : i32
    %eq3A_162 = arith.cmpi eq, %arg1, %eq3A_161 : i32
    %convert_element_type3A = arith.extui %eq3A_162 : i1 to i32
    %cond3A = arith.constant 0 : i32
    %cond3A_163 = arith.cmpi ne, %convert_element_type3A, %cond3A : i32
    scf.if %cond3A_163 {
      "tpu.region"() ({
        %run_scoped3A = tpu.sem_alloc : memref<!tpu.dma_semaphore, #tpu.memory_space<semaphore_mem>>
        tpu.enqueue_dma source(%arg19 : memref<256xf32, #tpu.memory_space<vmem_shared>>) target(%arg17 : memref<256xf32, #tpu.memory_space<vmem>>) target_semaphore(%run_scoped3A : memref<!tpu.dma_semaphore, #tpu.memory_space<semaphore_mem>>)
        tpu.wait_dma2 semaphore(%run_scoped3A : memref<!tpu.dma_semaphore, #tpu.memory_space<semaphore_mem>>) src(%arg19 : memref<256xf32, #tpu.memory_space<vmem_shared>>) dst(%arg17 : memref<256xf32, #tpu.memory_space<vmem>>)
        tpu.yield
      }) : () -> ()
      %broadcast_in_dim3A_164 = arith.constant 0.000000e+00 : f32
      %broadcast_in_dim3A_165 = vector.broadcast %broadcast_in_dim3A_164 : f32 to vector<16xf32>
      %get3A = arith.constant 0 : index
      %get3A_166 = tpu.vector_load %arg17[%get3A] {strides = array<i32>} : memref<256xf32, #tpu.memory_space<vmem>>, vector<16xf32>,
      %add3A_167 = arith.addf %broadcast_in_dim3A_165, %get3A_166 : vector<16xf32>
      %get3A_168 = arith.constant 16 : index
      %get3A_169 = tpu.vector_load %arg17[%get3A_168] {strides = array<i32>} : memref<256xf32, #tpu.memory_space<vmem>>, vector<16xf32>,
      %add3A_170 = arith.addf %add3A_167, %get3A_169 : vector<16xf32>
      %get3A_171 = arith.constant 32 : index
      %get3A_172 = tpu.vector_load %arg17[%get3A_171] {strides = array<i32>} : memref<256xf32, #tpu.memory_space<vmem>>, vector<16xf32>,
      %add3A_173 = arith.addf %add3A_170, %get3A_172 : vector<16xf32>
      %get3A_174 = arith.constant 48 : index
      %get3A_175 = tpu.vector_load %arg17[%get3A_174] {strides = array<i32>} : memref<256xf32, #tpu.memory_space<vmem>>, vector<16xf32>,
      %add3A_176 = arith.addf %add3A_173, %get3A_175 : vector<16xf32>
      %get3A_177 = arith.constant 64 : index
      %get3A_178 = tpu.vector_load %arg17[%get3A_177] {strides = array<i32>} : memref<256xf32, #tpu.memory_space<vmem>>, vector<16xf32>,
      %add3A_179 = arith.addf %add3A_176, %get3A_178 : vector<16xf32>
      %get3A_180 = arith.constant 80 : index
      %get3A_181 = tpu.vector_load %arg17[%get3A_180] {strides = array<i32>} : memref<256xf32, #tpu.memory_space<vmem>>, vector<16xf32>,
      %add3A_182 = arith.addf %add3A_179, %get3A_181 : vector<16xf32>
      %get3A_183 = arith.constant 96 : index
      %get3A_184 = tpu.vector_load %arg17[%get3A_183] {strides = array<i32>} : memref<256xf32, #tpu.memory_space<vmem>>, vector<16xf32>,
      %add3A_185 = arith.addf %add3A_182, %get3A_184 : vector<16xf32>
      %get3A_186 = arith.constant 112 : index
      %get3A_187 = tpu.vector_load %arg17[%get3A_186] {strides = array<i32>} : memref<256xf32, #tpu.memory_space<vmem>>, vector<16xf32>,
      %add3A_188 = arith.addf %add3A_185, %get3A_187 : vector<16xf32>
      %get3A_189 = arith.constant 128 : index
      %get3A_190 = tpu.vector_load %arg17[%get3A_189] {strides = array<i32>} : memref<256xf32, #tpu.memory_space<vmem>>, vector<16xf32>,
      %add3A_191 = arith.addf %add3A_188, %get3A_190 : vector<16xf32>
      %get3A_192 = arith.constant 144 : index
      %get3A_193 = tpu.vector_load %arg17[%get3A_192] {strides = array<i32>} : memref<256xf32, #tpu.memory_space<vmem>>, vector<16xf32>,
      %add3A_194 = arith.addf %add3A_191, %get3A_193 : vector<16xf32>
      %get3A_195 = arith.constant 160 : index
      %get3A_196 = tpu.vector_load %arg17[%get3A_195] {strides = array<i32>} : memref<256xf32, #tpu.memory_space<vmem>>, vector<16xf32>,
      %add3A_197 = arith.addf %add3A_194, %get3A_196 : vector<16xf32>
      %get3A_198 = arith.constant 176 : index
      %get3A_199 = tpu.vector_load %arg17[%get3A_198] {strides = array<i32>} : memref<256xf32, #tpu.memory_space<vmem>>, vector<16xf32>,
      %add3A_200 = arith.addf %add3A_197, %get3A_199 : vector<16xf32>
      %get3A_201 = arith.constant 192 : index
      %get3A_202 = tpu.vector_load %arg17[%get3A_201] {strides = array<i32>} : memref<256xf32, #tpu.memory_space<vmem>>, vector<16xf32>,
      %add3A_203 = arith.addf %add3A_200, %get3A_202 : vector<16xf32>
      %get3A_204 = arith.constant 208 : index
      %get3A_205 = tpu.vector_load %arg17[%get3A_204] {strides = array<i32>} : memref<256xf32, #tpu.memory_space<vmem>>, vector<16xf32>,
      %add3A_206 = arith.addf %add3A_203, %get3A_205 : vector<16xf32>
      %get3A_207 = arith.constant 224 : index
      %get3A_208 = tpu.vector_load %arg17[%get3A_207] {strides = array<i32>} : memref<256xf32, #tpu.memory_space<vmem>>, vector<16xf32>,
      %add3A_209 = arith.addf %add3A_206, %get3A_208 : vector<16xf32>
      %get3A_210 = arith.constant 240 : index
      %get3A_211 = tpu.vector_load %arg17[%get3A_210] {strides = array<i32>} : memref<256xf32, #tpu.memory_space<vmem>>, vector<16xf32>,
      %add3A_212 = arith.addf %add3A_209, %get3A_211 : vector<16xf32>
      %reduce_sum3A = arith.constant true
      %reduce_sum3A_213 = vector.broadcast %reduce_sum3A : i1 to vector<16xi1>
      %reduce_sum3A_214 = tpu.scan <sum>, %add3A_212 masked %reduce_sum3A_213 : vector<16xf32>, vector<16xi1> -> vector<16xf32>
      %reduce_sum3A_215 = vector.extract %reduce_sum3A_214[15] : f32 from vector<16xf32>
      %mul3A_216 = arith.constant 3.05175781E-5 : f32
      %mul3A_217 = arith.mulf %reduce_sum3A_215, %mul3A_216 : f32
      %broadcast_in_dim3A_218 = vector.broadcast %mul3A_217 : f32 to vector<16xf32>
      %swap3A_219 = arith.constant 0 : index
      %swap3A_220 = tpu.vector_load %arg16[%swap3A_219] {strides = array<i32>} : memref<16xf32, #tpu.memory_space<vmem>>, vector<16xf32>,
      tpu.vector_store %arg16[%swap3A_219], %broadcast_in_dim3A_218 {strides = array<i32>} : memref<16xf32, #tpu.memory_space<vmem>>, vector<16xf32>,
      %mul3A_221 = arith.constant 16 : i32
      %mul3A_222 = arith.muli %arg0, %mul3A_221 : i32
      "tpu.region"() ({
        %run_scoped3A = tpu.sem_alloc : memref<!tpu.dma_semaphore, #tpu.memory_space<semaphore_mem>>
        %dma_start3A = tpu.memref_slice %arg5[%mul3A_222] : memref<32xf32, #tpu.memory_space<hbm>> -> memref<16xf32, #tpu.memory_space<hbm>>
        %dma_start3A_223 = tpu.memref_slice %arg5[%mul3A_222] : memref<32xf32, #tpu.memory_space<hbm>> -> memref<16xf32, #tpu.memory_space<hbm>>
        tpu.enqueue_dma source(%arg16 : memref<16xf32, #tpu.memory_space<vmem>>) target(%dma_start3A_223 : memref<16xf32, #tpu.memory_space<hbm>>) target_semaphore(%run_scoped3A : memref<!tpu.dma_semaphore, #tpu.memory_space<semaphore_mem>>)
        %dma_wait3A = tpu.memref_slice %arg5[%mul3A_222] : memref<32xf32, #tpu.memory_space<hbm>> -> memref<16xf32, #tpu.memory_space<hbm>>
        %dma_wait3A_224 = tpu.memref_slice %arg5[%mul3A_222] : memref<32xf32, #tpu.memory_space<hbm>> -> memref<16xf32, #tpu.memory_space<hbm>>
        tpu.wait_dma2 semaphore(%run_scoped3A : memref<!tpu.dma_semaphore, #tpu.memory_space<semaphore_mem>>) src(%arg16 : memref<16xf32, #tpu.memory_space<vmem>>) dst(%dma_wait3A_224 : memref<16xf32, #tpu.memory_space<hbm>>)
        tpu.yield
      }) : () -> ()
    } else {
    }
    return
  }
}

module attributes {stable_mosaic.version = 14 : i64} {
  func.func @_argmin_body(%arg0: i32, %arg1: i32, %arg2: memref<1x1x512x3xf32, #tpu.memory_space<vmem>>, %arg3: memref<1x1x3x512xf32, #tpu.memory_space<vmem>>, %arg4: memref<1x1x4096x3xf32, #tpu.memory_space<vmem>>, %arg5: memref<1x1x3x4096xf32, #tpu.memory_space<vmem>>, %arg6: memref<1x1x512xi32, #tpu.memory_space<vmem>>, %arg7: memref<1x4096xf32, #tpu.memory_space<vmem>>) attributes {dimension_semantics = [#tpu.dimension_semantics<parallel>, #tpu.dimension_semantics<arbitrary>], iteration_bounds = array<i64: 8, 8>, scalar_prefetch = 0 : i64, scratch_operands = 1 : i64, tpu.core_type = #tpu.core_type<tc>, window_params = [{transform_indices = @transform_0, window_bounds = array<i64: 1, 1, 512, 3>}, {transform_indices = @transform_1, window_bounds = array<i64: 1, 1, 3, 512>}, {transform_indices = @transform_2, window_bounds = array<i64: 1, 1, 4096, 3>}, {transform_indices = @transform_3, window_bounds = array<i64: 1, 1, 3, 4096>}, {transform_indices = @transform_4, window_bounds = array<i64: 1, 1, 512>}]} {
    %eq3A = arith.constant 0 : i32
    %eq3A_0 = arith.cmpi eq, %arg1, %eq3A : i32
    %convert_element_type3A = arith.extui %eq3A_0 : i1 to i32
    %cond3A = arith.constant 0 : i32
    %cond3A_1 = arith.cmpi ne, %convert_element_type3A, %cond3A : i32
    scf.if %cond3A_1 {
      %get3A_37 = arith.constant 0 : index
      %get3A_38 = arith.constant 0 : index
      %get3A_39 = arith.constant 0 : index
      %get3A_40 = arith.constant 0 : index
      %get3A_41 = vector.load %arg5[%get3A_37, %get3A_38, %get3A_39, %get3A_40] : memref<1x1x3x4096xf32, #tpu.memory_space<vmem>>, vector<1x1x3x4096xf32>
      %get3A_42 = vector.shape_cast %get3A_41 : vector<1x1x3x4096xf32> to vector<3x4096xf32>
      %mul3A_43 = arith.mulf %get3A_42, %get3A_42 : vector<3x4096xf32>
      %reduce_sum3A_44 = arith.constant dense<0.000000e+00> : vector<4096xf32>
      %reduce_sum3A_45 = vector.multi_reduction <add>, %mul3A_43, %reduce_sum3A_44 [0] : vector<3x4096xf32> to vector<4096xf32>
      %swap3A_46 = arith.constant 0 : index
      %swap3A_47 = arith.constant 0 : index
      %swap3A_48 = vector.load %arg7[%swap3A_46, %swap3A_47] : memref<1x4096xf32, #tpu.memory_space<vmem>>, vector<1x4096xf32>
      %swap3A_49 = vector.shape_cast %swap3A_48 : vector<1x4096xf32> to vector<4096xf32>
      %swap3A_50 = vector.shape_cast %reduce_sum3A_45 : vector<4096xf32> to vector<1x4096xf32>
      tpu.vector_store %arg7[%swap3A_46, %swap3A_47], %swap3A_50 {strides = array<i32>} : memref<1x4096xf32, #tpu.memory_space<vmem>>, vector<1x4096xf32>,
    } else {
    }
    %get3A = arith.constant 0 : index
    %get3A_2 = arith.constant 0 : index
    %get3A_3 = arith.constant 0 : index
    %get3A_4 = arith.constant 0 : index
    %get3A_5 = vector.load %arg2[%get3A, %get3A_2, %get3A_3, %get3A_4] : memref<1x1x512x3xf32, #tpu.memory_space<vmem>>, vector<1x1x512x3xf32>
    %get3A_6 = vector.shape_cast %get3A_5 : vector<1x1x512x3xf32> to vector<512x3xf32>
    %get3A_7 = arith.constant 0 : index
    %get3A_8 = arith.constant 0 : index
    %get3A_9 = arith.constant 0 : index
    %get3A_10 = arith.constant 0 : index
    %get3A_11 = vector.load %arg4[%get3A_7, %get3A_8, %get3A_9, %get3A_10] : memref<1x1x4096x3xf32, #tpu.memory_space<vmem>>, vector<1x1x4096x3xf32>
    %get3A_12 = vector.shape_cast %get3A_11 : vector<1x1x4096x3xf32> to vector<4096x3xf32>
    %get3A_13 = arith.constant 0 : index
    %get3A_14 = arith.constant 0 : index
    %get3A_15 = arith.constant 0 : index
    %get3A_16 = arith.constant 0 : index
    %get3A_17 = vector.load %arg3[%get3A_13, %get3A_14, %get3A_15, %get3A_16] : memref<1x1x3x512xf32, #tpu.memory_space<vmem>>, vector<1x1x3x512xf32>
    %get3A_18 = vector.shape_cast %get3A_17 : vector<1x1x3x512xf32> to vector<3x512xf32>
    %mul3A = arith.mulf %get3A_18, %get3A_18 : vector<3x512xf32>
    %reduce_sum3A = arith.constant dense<0.000000e+00> : vector<512xf32>
    %reduce_sum3A_19 = vector.multi_reduction <add>, %mul3A, %reduce_sum3A [0] : vector<3x512xf32> to vector<512xf32>
    %mul3A_20 = arith.constant -2.000000e+00 : f32
    %mul3A_21 = vector.broadcast %mul3A_20 : f32 to vector<512x3xf32>
    %mul3A_22 = arith.mulf %mul3A_21, %get3A_6 : vector<512x3xf32>
    %dot_general3A = arith.constant dense<0.000000e+00> : vector<512x4096xf32>
    %dot_general3A_23 = tpu.matmul %mul3A_22, %get3A_12, %dot_general3A {dimension_numbers = #tpu.dot_dimension_numbers<[1], [1], [0], [0], [0, 0, 1, 0], [], []>, transpose_lhs_hint = false} : vector<512x3xf32>, vector<4096x3xf32>, vector<512x4096xf32> -> vector<512x4096xf32>
    %broadcast_in_dim3A = vector.shape_cast %reduce_sum3A_19 : vector<512xf32> to vector<512x1xf32>
    %add3A = vector.broadcast %broadcast_in_dim3A : vector<512x1xf32> to vector<512x4096xf32>
    %add3A_24 = arith.addf %add3A, %dot_general3A_23 : vector<512x4096xf32>
    %get3A_25 = arith.constant 0 : index
    %get3A_26 = arith.constant 0 : index
    %get3A_27 = vector.load %arg7[%get3A_25, %get3A_26] : memref<1x4096xf32, #tpu.memory_space<vmem>>, vector<1x4096xf32>
    %get3A_28 = vector.shape_cast %get3A_27 : vector<1x4096xf32> to vector<4096xf32>
    %broadcast_in_dim3A_29 = vector.shape_cast %get3A_28 : vector<4096xf32> to vector<1x4096xf32>
    %add3A_30 = vector.broadcast %broadcast_in_dim3A_29 : vector<1x4096xf32> to vector<512x4096xf32>
    %add3A_31 = arith.addf %add3A_24, %add3A_30 : vector<512x4096xf32>
    %argmin3A = tpu.reduce_index %add3A_31 {axis = 1 : i32, kind = #tpu.reduction_kind<arg_min>} : vector<512x4096xf32> -> vector<512xi32>
    %swap3A = arith.constant 0 : index
    %swap3A_32 = arith.constant 0 : index
    %swap3A_33 = arith.constant 0 : index
    %swap3A_34 = vector.load %arg6[%swap3A, %swap3A_32, %swap3A_33] : memref<1x1x512xi32, #tpu.memory_space<vmem>>, vector<1x1x512xi32>
    %swap3A_35 = vector.shape_cast %swap3A_34 : vector<1x1x512xi32> to vector<512xi32>
    %swap3A_36 = vector.shape_cast %argmin3A : vector<512xi32> to vector<1x1x512xi32>
    tpu.vector_store %arg6[%swap3A, %swap3A_32, %swap3A_33], %swap3A_36 {strides = array<i32>} : memref<1x1x512xi32, #tpu.memory_space<vmem>>, vector<1x1x512xi32>,
    return
  }
  func.func @transform_0(%arg0: i32, %arg1: i32) -> (i32, i32, i32, i32) {
    %jit3A = arith.constant 2 : i32
    %div3A = arith.divsi %arg0, %jit3A : i32
    %sign3A = arith.constant 0 : i32
    %sign3A_0 = arith.cmpi sgt, %arg0, %sign3A : i32
    %sign3A_1 = arith.extui %sign3A_0 : i1 to i32
    %sign3A_2 = arith.constant 0 : i32
    %sign3A_3 = arith.cmpi slt, %arg0, %sign3A_2 : i32
    %sign3A_4 = arith.extui %sign3A_3 : i1 to i32
    %sign3A_5 = arith.subi %sign3A_1, %sign3A_4 : i32
    %sign3A_6 = arith.constant 0 : i32
    %sign3A_7 = arith.cmpi sgt, %jit3A, %sign3A_6 : i32
    %sign3A_8 = arith.extui %sign3A_7 : i1 to i32
    %sign3A_9 = arith.constant 0 : i32
    %sign3A_10 = arith.cmpi slt, %jit3A, %sign3A_9 : i32
    %sign3A_11 = arith.extui %sign3A_10 : i1 to i32
    %sign3A_12 = arith.subi %sign3A_8, %sign3A_11 : i32
    %ne3A = arith.cmpi ne, %sign3A_5, %sign3A_12 : i32
    %rem3A = arith.remsi %arg0, %jit3A : i32
    %ne3A_13 = arith.constant 0 : i32
    %ne3A_14 = arith.cmpi ne, %rem3A, %ne3A_13 : i32
    %and3A = arith.andi %ne3A, %ne3A_14 : i1
    %sub3A = arith.constant 1 : i32
    %sub3A_15 = arith.subi %div3A, %sub3A : i32
    %select_n3A = arith.select %and3A, %sub3A_15, %div3A : i32
    %jit3A_16 = arith.constant 2 : i32
    %eq3A = arith.constant 0 : i32
    %eq3A_17 = arith.cmpi eq, %jit3A_16, %eq3A : i32
    %jit3A_18 = arith.constant 1 : i32
    %select_n3A_19 = arith.select %eq3A_17, %jit3A_18, %jit3A_16 : i32
    %rem3A_20 = arith.remsi %arg0, %select_n3A_19 : i32
    %ne3A_21 = arith.constant 0 : i32
    %ne3A_22 = arith.cmpi ne, %rem3A_20, %ne3A_21 : i32
    %lt3A = arith.constant 0 : i32
    %lt3A_23 = arith.cmpi slt, %rem3A_20, %lt3A : i32
    %lt3A_24 = arith.constant 0 : i32
    %lt3A_25 = arith.cmpi slt, %select_n3A_19, %lt3A_24 : i32
    %ne3A_26 = arith.xori %lt3A_23, %lt3A_25 : i1
    %and3A_27 = arith.andi %ne3A_26, %ne3A_22 : i1
    %add3A = arith.addi %rem3A_20, %select_n3A_19 : i32
    %select_n3A_28 = arith.select %and3A_27, %add3A, %rem3A_20 : i32
    %c0_i32 = arith.constant 0 : i32
    %c0_i32_29 = arith.constant 0 : i32
    return %select_n3A, %select_n3A_28, %arg1, %c0_i32 : i32, i32, i32, i32
  }
  func.func @transform_1(%arg0: i32, %arg1: i32) -> (i32, i32, i32, i32) {
    %jit3A = arith.constant 2 : i32
    %div3A = arith.divsi %arg0, %jit3A : i32
    %sign3A = arith.constant 0 : i32
    %sign3A_0 = arith.cmpi sgt, %arg0, %sign3A : i32
    %sign3A_1 = arith.extui %sign3A_0 : i1 to i32
    %sign3A_2 = arith.constant 0 : i32
    %sign3A_3 = arith.cmpi slt, %arg0, %sign3A_2 : i32
    %sign3A_4 = arith.extui %sign3A_3 : i1 to i32
    %sign3A_5 = arith.subi %sign3A_1, %sign3A_4 : i32
    %sign3A_6 = arith.constant 0 : i32
    %sign3A_7 = arith.cmpi sgt, %jit3A, %sign3A_6 : i32
    %sign3A_8 = arith.extui %sign3A_7 : i1 to i32
    %sign3A_9 = arith.constant 0 : i32
    %sign3A_10 = arith.cmpi slt, %jit3A, %sign3A_9 : i32
    %sign3A_11 = arith.extui %sign3A_10 : i1 to i32
    %sign3A_12 = arith.subi %sign3A_8, %sign3A_11 : i32
    %ne3A = arith.cmpi ne, %sign3A_5, %sign3A_12 : i32
    %rem3A = arith.remsi %arg0, %jit3A : i32
    %ne3A_13 = arith.constant 0 : i32
    %ne3A_14 = arith.cmpi ne, %rem3A, %ne3A_13 : i32
    %and3A = arith.andi %ne3A, %ne3A_14 : i1
    %sub3A = arith.constant 1 : i32
    %sub3A_15 = arith.subi %div3A, %sub3A : i32
    %select_n3A = arith.select %and3A, %sub3A_15, %div3A : i32
    %jit3A_16 = arith.constant 2 : i32
    %eq3A = arith.constant 0 : i32
    %eq3A_17 = arith.cmpi eq, %jit3A_16, %eq3A : i32
    %jit3A_18 = arith.constant 1 : i32
    %select_n3A_19 = arith.select %eq3A_17, %jit3A_18, %jit3A_16 : i32
    %rem3A_20 = arith.remsi %arg0, %select_n3A_19 : i32
    %ne3A_21 = arith.constant 0 : i32
    %ne3A_22 = arith.cmpi ne, %rem3A_20, %ne3A_21 : i32
    %lt3A = arith.constant 0 : i32
    %lt3A_23 = arith.cmpi slt, %rem3A_20, %lt3A : i32
    %lt3A_24 = arith.constant 0 : i32
    %lt3A_25 = arith.cmpi slt, %select_n3A_19, %lt3A_24 : i32
    %ne3A_26 = arith.xori %lt3A_23, %lt3A_25 : i1
    %and3A_27 = arith.andi %ne3A_26, %ne3A_22 : i1
    %add3A = arith.addi %rem3A_20, %select_n3A_19 : i32
    %select_n3A_28 = arith.select %and3A_27, %add3A, %rem3A_20 : i32
    %c0_i32 = arith.constant 0 : i32
    %c0_i32_29 = arith.constant 0 : i32
    return %select_n3A, %select_n3A_28, %c0_i32, %arg1 : i32, i32, i32, i32
  }
  func.func @transform_2(%arg0: i32, %arg1: i32) -> (i32, i32, i32, i32) {
    %jit3A = arith.constant 2 : i32
    %div3A = arith.divsi %arg0, %jit3A : i32
    %sign3A = arith.constant 0 : i32
    %sign3A_0 = arith.cmpi sgt, %arg0, %sign3A : i32
    %sign3A_1 = arith.extui %sign3A_0 : i1 to i32
    %sign3A_2 = arith.constant 0 : i32
    %sign3A_3 = arith.cmpi slt, %arg0, %sign3A_2 : i32
    %sign3A_4 = arith.extui %sign3A_3 : i1 to i32
    %sign3A_5 = arith.subi %sign3A_1, %sign3A_4 : i32
    %sign3A_6 = arith.constant 0 : i32
    %sign3A_7 = arith.cmpi sgt, %jit3A, %sign3A_6 : i32
    %sign3A_8 = arith.extui %sign3A_7 : i1 to i32
    %sign3A_9 = arith.constant 0 : i32
    %sign3A_10 = arith.cmpi slt, %jit3A, %sign3A_9 : i32
    %sign3A_11 = arith.extui %sign3A_10 : i1 to i32
    %sign3A_12 = arith.subi %sign3A_8, %sign3A_11 : i32
    %ne3A = arith.cmpi ne, %sign3A_5, %sign3A_12 : i32
    %rem3A = arith.remsi %arg0, %jit3A : i32
    %ne3A_13 = arith.constant 0 : i32
    %ne3A_14 = arith.cmpi ne, %rem3A, %ne3A_13 : i32
    %and3A = arith.andi %ne3A, %ne3A_14 : i1
    %sub3A = arith.constant 1 : i32
    %sub3A_15 = arith.subi %div3A, %sub3A : i32
    %select_n3A = arith.select %and3A, %sub3A_15, %div3A : i32
    %xor3A = arith.constant 1 : i32
    %xor3A_16 = arith.xori %select_n3A, %xor3A : i32
    %jit3A_17 = arith.constant 2 : i32
    %eq3A = arith.constant 0 : i32
    %eq3A_18 = arith.cmpi eq, %jit3A_17, %eq3A : i32
    %jit3A_19 = arith.constant 1 : i32
    %select_n3A_20 = arith.select %eq3A_18, %jit3A_19, %jit3A_17 : i32
    %rem3A_21 = arith.remsi %arg0, %select_n3A_20 : i32
    %ne3A_22 = arith.constant 0 : i32
    %ne3A_23 = arith.cmpi ne, %rem3A_21, %ne3A_22 : i32
    %lt3A = arith.constant 0 : i32
    %lt3A_24 = arith.cmpi slt, %rem3A_21, %lt3A : i32
    %lt3A_25 = arith.constant 0 : i32
    %lt3A_26 = arith.cmpi slt, %select_n3A_20, %lt3A_25 : i32
    %ne3A_27 = arith.xori %lt3A_24, %lt3A_26 : i1
    %and3A_28 = arith.andi %ne3A_27, %ne3A_23 : i1
    %add3A = arith.addi %rem3A_21, %select_n3A_20 : i32
    %select_n3A_29 = arith.select %and3A_28, %add3A, %rem3A_21 : i32
    %c0_i32 = arith.constant 0 : i32
    %c0_i32_30 = arith.constant 0 : i32
    %c0_i32_31 = arith.constant 0 : i32
    return %xor3A_16, %select_n3A_29, %c0_i32, %c0_i32_30 : i32, i32, i32, i32
  }
  func.func @transform_3(%arg0: i32, %arg1: i32) -> (i32, i32, i32, i32) {
    %jit3A = arith.constant 2 : i32
    %div3A = arith.divsi %arg0, %jit3A : i32
    %sign3A = arith.constant 0 : i32
    %sign3A_0 = arith.cmpi sgt, %arg0, %sign3A : i32
    %sign3A_1 = arith.extui %sign3A_0 : i1 to i32
    %sign3A_2 = arith.constant 0 : i32
    %sign3A_3 = arith.cmpi slt, %arg0, %sign3A_2 : i32
    %sign3A_4 = arith.extui %sign3A_3 : i1 to i32
    %sign3A_5 = arith.subi %sign3A_1, %sign3A_4 : i32
    %sign3A_6 = arith.constant 0 : i32
    %sign3A_7 = arith.cmpi sgt, %jit3A, %sign3A_6 : i32
    %sign3A_8 = arith.extui %sign3A_7 : i1 to i32
    %sign3A_9 = arith.constant 0 : i32
    %sign3A_10 = arith.cmpi slt, %jit3A, %sign3A_9 : i32
    %sign3A_11 = arith.extui %sign3A_10 : i1 to i32
    %sign3A_12 = arith.subi %sign3A_8, %sign3A_11 : i32
    %ne3A = arith.cmpi ne, %sign3A_5, %sign3A_12 : i32
    %rem3A = arith.remsi %arg0, %jit3A : i32
    %ne3A_13 = arith.constant 0 : i32
    %ne3A_14 = arith.cmpi ne, %rem3A, %ne3A_13 : i32
    %and3A = arith.andi %ne3A, %ne3A_14 : i1
    %sub3A = arith.constant 1 : i32
    %sub3A_15 = arith.subi %div3A, %sub3A : i32
    %select_n3A = arith.select %and3A, %sub3A_15, %div3A : i32
    %xor3A = arith.constant 1 : i32
    %xor3A_16 = arith.xori %select_n3A, %xor3A : i32
    %jit3A_17 = arith.constant 2 : i32
    %eq3A = arith.constant 0 : i32
    %eq3A_18 = arith.cmpi eq, %jit3A_17, %eq3A : i32
    %jit3A_19 = arith.constant 1 : i32
    %select_n3A_20 = arith.select %eq3A_18, %jit3A_19, %jit3A_17 : i32
    %rem3A_21 = arith.remsi %arg0, %select_n3A_20 : i32
    %ne3A_22 = arith.constant 0 : i32
    %ne3A_23 = arith.cmpi ne, %rem3A_21, %ne3A_22 : i32
    %lt3A = arith.constant 0 : i32
    %lt3A_24 = arith.cmpi slt, %rem3A_21, %lt3A : i32
    %lt3A_25 = arith.constant 0 : i32
    %lt3A_26 = arith.cmpi slt, %select_n3A_20, %lt3A_25 : i32
    %ne3A_27 = arith.xori %lt3A_24, %lt3A_26 : i1
    %and3A_28 = arith.andi %ne3A_27, %ne3A_23 : i1
    %add3A = arith.addi %rem3A_21, %select_n3A_20 : i32
    %select_n3A_29 = arith.select %and3A_28, %add3A, %rem3A_21 : i32
    %c0_i32 = arith.constant 0 : i32
    %c0_i32_30 = arith.constant 0 : i32
    %c0_i32_31 = arith.constant 0 : i32
    return %xor3A_16, %select_n3A_29, %c0_i32, %c0_i32_30 : i32, i32, i32, i32
  }
  func.func @transform_4(%arg0: i32, %arg1: i32) -> (i32, i32, i32) {
    %c0_i32 = arith.constant 0 : i32
    %c0_i32_0 = arith.constant 0 : i32
    return %arg0, %c0_i32, %arg1 : i32, i32, i32
  }
}

</mosaic_0001>

<sc_bundles>
// kernel: kernel.4.cloned.1.call-start
scs
__scs_entry_jumppad:
0x0: {  	(pc) =	sbr.rel $0x88, $3  }
0x1: {  	(tag) =	ssettag $0x0;
	lr =	simm.s32 $0x1  }
0x2: {  	[smem:$0x3F99] =	sst lr;
	_ =	strace $0xD0000000  }
0x3: {  	_ = 	snop  }
0x4: {  	_ = 	snop  }
0x5: {  	_ = 	snop  }
0x6: {  	_ = 	snop  }
0x7: {  	_ = 	snop  }
__scs_overlays_trampoline_lowered:
0x8: {  	[smem:$0x3FA8] =	sst s0  }
0x9: {  	[smem:$0x3FA9] =	sst s1  }
0xa: {  	[smem:$0x3FAA] =	sst s2  }
0xb: {  	[smem:$0x3FAB] =	sst s3  }
0xc: {  	[smem:$0x3FAC] =	sst s4  }
0xd: {  	[smem:$0x3FAD] =	sst s5  }
0xe: {  	[smem:$0x3FAE] =	sst s6  }
0xf: {  	[smem:$0x3FAF] =	sst s7  }
0x10: {  	[smem:$0x3FB0] =	sst s8  }
0x11: {  	[smem:$0x3FB1] =	sst s9;
	s0 =	simm.s32 @!p0 $0x0  }
0x12: {  	s1 =	sld [smem:$0x3F97];
	s0 =	simm.s32 @p0 $0x1  }
0x13: {  	[smem:$0x3FB2] =	sst s0;
	s0 =	simm.s32 @!p1 $0x0  }
0x14: {  	s2 =	sld [smem:$0x3F96];
	s0 =	simm.s32 @p1 $0x1  }
0x15: {  	[smem:$0x3FB3] =	sst s0;
	s0 =	simm.s32 @!p2 $0x0  }
0x16: {  	s3 =	sld [smem:$0x3FDB];
	s0 =	simm.s32 @p2 $0x1  }
0x17: {  	s4 =	simm.s32 $0x1BF5;
	[smem:$0x3FB5] =	sst s0  }
0x18: {  	s0 =	sld [smem:$0x3F98];
	_ =	swait.ge [sflag:s4], $0x0  }
0x19: {  	s7 =	sld [smem:$0x3F99]  }
0x1a: {  	s8 =	sadd.s32 $0xFFFFE003, lr  }
0x1b: {  	s9 =	sadd.s32 $0xFFFFFEF7, lr;
	s5 =	simm.s32 $0xFFFFFFFF;
	p2 =	slt.u32 s8, $0xFFFFF086  }
0x1c: {  	p1 =	slt.u32 s9, $0xF7A;
	s5 =	simm.s32 @!p2 $0x0  }
0x1d: {  	s5 =	simm.s32 @p1 $0x1;
	p0 =	seq.s32 s7, s2  }
0x1e: {  	s7 =	smul.u32 @!p0 $0xF7A, s2;
	p2 =	seq.s32 @!p0 s5, $0x0  }
0x1f: {  	s9 =	smul.u32 $0xF7A, s1;
	s8 =	simm.s32 @!p0 $0x1BF5;
	p2 =	por !p2, p0  }
0x20: {  	[sflag:s8] =	ssyncset.s32 @!p0 $0xFFFFF086;
	s6 =	sadd.s32 @!p0 s3, s7;
	s7 =	simm.s32 @!p0 $0x108  }
0x21: {  	s3 =	sadd.s32 s3, s9;
	s6 =	sadd.s32 @!p0 $0x88, s6;
	s7 =	simm.s32 @p2 $0x1082  }
0x22: {  	[simem:s7], [sflag:s8] =	dma.local @!p0 [hbm:s6], $0xF7A  }
0x23: {  	s9 =	sor.u32 $0xD0000000, s2;
	s6 =	simm.s32 $0x108;
	_ =	swait.ge @!p0 [sflag:s8], $0x0  }
0x24: {  	s3 =	sadd.s32 $0x88, s3;
	s6 =	simm.s32 @!p1 $0x1082;
	[sflag:s4] =	ssyncset.s32 $0xFFFFF086  }
0x25: {  	[simem:s6], [sflag:s4] =	dma.local [hbm:s3], $0xF7A  }
0x26: {  	[smem:$0x3F99] =	sst s1;
	(tag) =	ssettag s2;
	_ =	strace s9  }
0x27: {  	s1 =	sld [smem:$0x3FA9]  }
0x28: {  	s2 =	sld [smem:$0x3FAA]  }
0x29: {  	s4 =	sld [smem:$0x3FAC]  }
0x2a: {  	p0 =	seq.s32 s5, $0x0;
	s5 =	sld [smem:$0x3FAD]  }
0x2b: {  	s6 =	sld [smem:$0x3FAE]  }
0x2c: {  	s7 =	sld [smem:$0x3FAF]  }
0x2d: {  	s3 =	simm.s32 $0x108;
	s8 =	sld [smem:$0x3FB0]  }
0x2e: {  	s3 =	simm.s32 @!p0 $0x1082;
	s9 =	sld [smem:$0x3FB1]  }
0x2f: {  	lr =	sadd.s32 s0, s3;
	s0 =	sld [smem:$0x3FA8]  }
0x30: {  	s3 =	sld [smem:$0x3FAB]  }
0x31: {  	[smem:$0x3FB4] =	sst s10  }
0x32: {  	s10 =	sld [smem:$0x3FB2];
	_ =	sdelay $0x3  }
0x33: {  	p0 =	seq.s32 s10, $0x1;
	s10 =	sld [smem:$0x3FB4];
	_ =	sdelay $0x3  }
0x34: {  	[smem:$0x3FB4] =	sst s10  }
0x35: {  	s10 =	sld [smem:$0x3FB3];
	_ =	sdelay $0x3  }
0x36: {  	p1 =	seq.s32 s10, $0x1;
	s10 =	sld [smem:$0x3FB4];
	_ =	sdelay $0x3  }
0x37: {  	[smem:$0x3FB4] =	sst s10  }
0x38: {  	s10 =	sld [smem:$0x3FB5]  }
0x39: {  	_ = 	snop;
	(pc) =	sbr.ind lr, $3  }
0x3a: {  	_ = 	snop  }
0x3b: {  	_ = 	snop  }
0x3c: {  	p2 =	seq.s32 s10, $0x1;
	s10 =	sld [smem:$0x3FB4]  }
0x3d: {  	_ =	shalt  }
0x3e: {  	_ =	shalt  }
0x3f: {  	_ =	shalt  }
0x40: {  	_ =	shalt  }
0x41: {  	_ =	shalt  }
0x42: {  	_ =	shalt  }
0x43: {  	_ =	shalt  }
0x44: {  	_ =	shalt  }
0x45: {  	_ =	shalt  }
0x46: {  	_ =	shalt  }
0x47: {  	_ =	shalt  }
0x48: {  	_ =	shalt  }
0x49: {  	_ =	shalt  }
0x4a: {  	_ =	shalt  }
0x4b: {  	_ =	shalt  }
0x4c: {  	_ =	shalt  }
0x4d: {  	_ =	shalt  }
0x4e: {  	_ =	shalt  }
0x4f: {  	_ =	shalt  }
0x50: {  	_ =	shalt  }
0x51: {  	_ =	shalt  }
0x52: {  	_ =	shalt  }
0x53: {  	_ =	shalt  }
0x54: {  	_ =	shalt  }
0x55: {  	_ =	shalt  }
0x56: {  	_ =	shalt  }
0x57: {  	_ =	shalt  }
0x58: {  	_ =	shalt  }
0x59: {  	_ =	shalt  }
0x5a: {  	_ =	shalt  }
0x5b: {  	_ =	shalt  }
0x5c: {  	_ =	shalt  }
0x5d: {  	_ =	shalt  }
0x5e: {  	_ =	shalt  }
0x5f: {  	_ =	shalt  }
0x60: {  	_ =	shalt  }
0x61: {  	_ =	shalt  }
0x62: {  	_ =	shalt  }
0x63: {  	_ =	shalt  }
0x64: {  	_ =	shalt  }
0x65: {  	_ =	shalt  }
0x66: {  	_ =	shalt  }
0x67: {  	_ =	shalt  }
0x68: {  	_ =	shalt  }
0x69: {  	_ =	shalt  }
0x6a: {  	_ =	shalt  }
0x6b: {  	_ =	shalt  }
0x6c: {  	_ =	shalt  }
0x6d: {  	_ =	shalt  }
0x6e: {  	_ =	shalt  }
0x6f: {  	_ =	shalt  }
0x70: {  	_ =	shalt  }
0x71: {  	_ =	shalt  }
0x72: {  	_ =	shalt  }
0x73: {  	_ =	shalt  }
0x74: {  	_ =	shalt  }
0x75: {  	_ =	shalt  }
0x76: {  	_ =	shalt  }
0x77: {  	_ =	shalt  }
0x78: {  	_ =	shalt  }
0x79: {  	_ =	shalt  }
0x7a: {  	_ =	shalt  }
0x7b: {  	_ =	shalt  }
0x7c: {  	_ =	shalt  }
0x7d: {  	_ =	shalt  }
0x7e: {  	_ =	shalt  }
0x7f: {  	_ =	shalt  }
0x80: {  	_ =	shalt  }
0x81: {  	_ =	shalt  }
0x82: {  	_ =	shalt  }
0x83: {  	_ =	shalt  }
0x84: {  	_ =	shalt  }
0x85: {  	_ =	shalt  }
0x86: {  	_ =	shalt  }
0x87: {  	_ =	shalt  }
.Lfunc_end0:
.L_simem_size_0:
called_computation_lowered:
.L_overlay_start_0:
0x88: {  	s2 =	sld [smem:$0x3FD9]  }
0x89: {  	s3 =	sld [smem:$0x3FFE];
	_ =	sdelay $0x1  }
0x8a: {  	s1 =	srdreg.scid  }
0x8b: {  	s0 =	sand.u32 $0x1, s1  }
0x8c: {  	s16 =	sshll.u32 s0, $0xA;
	s2 =	sadd.s32 s3, s2  }
0x8d: {  	s2 =	sadd.s32 s2, s16  }
0x8e: {  	[smem:$0x3FC0] =	sst s2  }
0x8f: {  	_ = 	snop  }
0x90: {  	(tm) =	ssettm $0x1  }
0x91: {  	s17 =	sld [smem:$0x3FFB];
	_ =	sdelay $0x3  }
0x92: {  	_ =	strace s17  }
0x93: {  	s2 =	sld [smem:$0x3FFC];
	_ =	sdelay $0x3  }
0x94: {  	_ =	strace s2  }
0x95: {  	s2 =	sld [smem:$0x3FFD];
	_ =	sdelay $0x3  }
0x96: {  	_ =	strace s2  }
0x97: {  	_ =	strace $0x8FFFFFFF  }
0x98: {  	s18 =	sld [smem:$0x3FDB];
	_ =	sdelay $0x1  }
0x99: {  	s19 =	simm.s32 $_scs_section_size  }
0x9a: {  	s4 =	simm.s32 $_size__tile_overlayer_lowered;
	s5 =	simm.s32 $_tile_overlayer_lowered  }
0x9b: {  	s22 =	simm.s32 $0x1BFF;
	s21 =	sshll.u32 s5, $0x1;
	s2 =	sadd.s32 s19, s18  }
0x9c: {  	s6 =	simm.s32 $0x0;
	s20 =	sshll.u32 s4, $0x1;
	s4 =	sadd.s32 s21, s2  }
0x9d: {  	[timem:s6], [sflag:s22] =	dma.local [hbm:s4], s20  }
0x9e: {  	_ =	swait.ge [sflag:s22], s20  }
0x9f: {  	s3 =	ssub.s32 $0x0, s20;
	[sflag:s22] =	ssyncset.done $0x0  }
0xa0: {  	[sflag:s22] =	ssyncadd.s32 s3;
	_ =	sdelay $0x1  }
0xa1: {  	s23 =	simm.s32 $0x1B8B  }
0xa2: {  	_ =	swait.ge [sflag:s23], $0x1  }
0xa3: {  	[sflag:s23] =	ssyncset.done $0x0  }
0xa4: {  	s25 =	simm.s32 $0x1B8E;
	s24 =	sld [smem:$0x3FFE];
	[sflag:s23] =	ssyncadd.s32 $0xFFFFFFFF  }
0xa5: {  	s26 =	simm.s32 $execute0_lowered;
	[smem:$0x3FD2] =	sst s25  }
0xa6: {  	s4 =	sshll.u32 s26, $0x1;
	_ =	strace $0x80000046;
	[dreg:$0x1] =	wrdreg $0xFFFFFFFF  }
0xa7: {  	s28 =	simm.s32 $_size_execute0_lowered;
	s2 =	sadd.s32 s2, s4;
	[dreg:$0x0] =	wrdreg $0x0  }
0xa8: {  	s4 =	sshll.u32 s28, $0x1;
	[dreg:$0x2] =	wrdreg s2  }
0xa9: {  	[dreg:$0x3] =	wrdreg s4  }
0xaa: {  	[dreg:$0x4] =	wrdreg $0xC0  }
0xab: {  	_ =	task [dreg:s6], $0x5FFFF  }
0xac: {  	[dreg:$0x1] =	wrdreg $0xFFFFFFFF  }
0xad: {  	[dreg:$0x0] =	wrdreg $0x60  }
0xae: {  	[dreg:$0x2] =	wrdreg s24  }
0xaf: {  	[dreg:$0x3] =	wrdreg $0x4D800  }
0xb0: {  	[dreg:$0x4] =	wrdreg $0x59800  }
0xb1: {  	[dreg:$0x5] =	wrdreg $0x9  }
0xb2: {  	_ =	task.clear_ibuf [dreg:s6], $0x6FFFF;
	_ =	strace $0x90000046  }
0xb3: {  	s29 =	simm.s32 $0x9;
	_ =	strace $0x80000048  }
0xb4: {  	_ =	swait.ge [sflag:s29], $0x1  }
0xb5: {  	[sflag:s29] =	ssyncadd.s32 $0xFFFFFFFF  }
0xb6: {  	_ =	strace $0x90000048  }
0xb7: {  	_ =	sfence  }
0xb8: {  	s30 =	sld [smem:$0x0];
	_ =	sdelay $0x2  }
0xb9: {  	s31 =	sshll.u32 s1, $0xD;
	s1 =	sshrl.u32 s1, $0x2  }
0xba: {  	s3 =	sand.u32 $0x4000, s31;
	s1 =	sadd.s32 s1, s30  }
0xbb: {  	s0 =	sor.u32 s3, s0;
	s1 =	sshll.u32 s1, $0x11  }
0xbc: {  	s0 =	sor.u32 s1, s0  }
0xbd: {  	s0 =	sadd.s32 $0x8F2B, s0  }
0xbe: {  	[sflag:s0] =	ssyncadd.remote.s32 $0x1  }
0xbf: {  	_ =	sfence.sel $0xFFFF  }
0xc0: {  	[dreg:$0x0] =	wrdreg $0xFFFFFFFF;
	(pc) =	sbr.abs _section_cstart, $3  }
0xc1: {  	[dreg:$0x1] =	wrdreg $0xFFFFFFFF  }
0xc2: {  	_ =	task.clear_ibuf [dreg:s6], $0x2FFFF;
	_ =	strace $0x9FFFFFFF  }
0xc3: {  	(tm) =	ssettm $0x7FFFFFFF  }
tec
execute0_lowered:
.L_overlay_start_1:
0x0: {  	(tag) =	ssettag $0x1  }
0x1: {  	s1 =	rddreg [dreg:$0x0]  }
0x2: {  	s0 =	stileid.u32;
	s3 =	rddreg [dreg:$0x1]  }
0x3: {  	s2 =	srdreg.scid;
	s20 =	rddreg [dreg:$0x2];
	s31 =	simm.f32 $-1.000000000e+00  }
0x4: {  	s28 =	simm.s32 $0x3400;
	s29 =	simm.s32 $0x3800;
	s30 =	simm.s32 $0x3C00  }
0x5: {  	s8 =	sand.u32 $0x3, s0;
	s4 =	sand.u32 $0x1, s2;
	s5 =	sshll.u32 s0, $0x8  }
0x6: {  	s2 =	simm.s32 $0x0;
	s21 =	sand.u32 $0x1, s0;
	s26 =	sshll.u32 s0, $0x4  }
0x7: {  	s9 =	sshll.u32 s8, $0x1;
	s15 =	sand.u32 $0xC00, s5;
	[smem:$0x7FF] =	sst s2  }
0x8: {  	p0 =	seq.s32 s21, $0x1;
	s20 =	sadd.s32 s26, s20;
	s26 =	simm.s32 $0x3000  }
0x9: {  	s6 =	sor.u32 s4, s9;
	_ =	strace $0x80000047;
	s9 =	sadd.s32 $0x1600, s1  }
0xa: {  	s31 =	simm.s32 @!p0 $0x3F800000;
	p0 =	sne.s32 s0, $0x0;
	s10 =	sshll.u32 s6, $0xC  }
0xb: {  	s7 =	sxor.u32 $0x2, s6;
	s6 =	smul.u32 $0x3000, s6;
	s5 =	sor.u32 s15, s10  }
0xc: {  	s11 =	smul.u32 $0x3000, s7;
	s10 =	sshll.u32 s4, $0x1;
	s4 =	ssub.s32 $0x2, s4  }
0xd: {  	s7 =	smul.u32 $0x600, s7;
	s5 =	sshrl.u32 s5, $0x3;
	s12 =	sshrl.u32 s4, $0x1  }
0xe: {  	s14 =	sor.u32 s15, s6;
	s19 =	sadd.s32 s5, s1;
	s1 =	sadd.s32 s10, s1  }
0xf: {  	s22 =	ssub.s32 s4, s12;
	s13 =	sshrl.u32 s11, $0x3;
	s16 =	sadd.s32 s9, s7  }
0x10: {  	s6 =	sshrl.u32 s14, $0x3;
	s18 =	sadd.s32 $0x1000, s14;
	s11 =	sshll.u32 s0, $0x1  }
0x11: {  	s12 =	sshrl.u32 s8, $0x1;
	s10 =	sadd.s32 $0x2000, s14;
	s0 =	simm.s32 $0x0  }
0x12: {  	[dreg:$0x4] =	wrdreg s16;
	s17 =	sadd.s32 s9, s13;
	s6 =	sadd.s32 s9, s6  }
0x13: {  	s7 =	sshrl.u32 s18, $0x3;
	s11 =	sor.u32 s12, s11;
	s10 =	sshrl.u32 s10, $0x3  }
0x14: {  	s13 =	smul.u32 $0xC000, s8;
	s21 =	sadd.s32 $0x6600, s1;
	s22 =	smax.u32 s22, $0x1  }
0x15: {  	s4 =	sadd.s32 $0x200, s17;
	s5 =	sadd.s32 $0x400, s17;
	s7 =	sadd.s32 s9, s7  }
0x16: {  	s11 =	sand.u32 $0x3, s11;
	s8 =	sadd.s32 s9, s10;
	s9 =	sadd.s32 $0x4600, s19  }
0x17: {  	s14 =	sxor.u32 $0x2, s11;
	s24 =	sshrl.u32 s13, $0x2;
	s11 =	smul.u32 $0xC000, s11  }
0x18: {  	s19 =	sadd.s32 $0x5600, s19;
	s23 =	smul.u32 $0xC000, s14;
	s10 =	sadd.s32 s24, s3  }
0x19: {  	s24 =	simm.s32 $0x1000;
	s10 =	sadd.s32 s15, s10;
	s25 =	sshrl.u32 s11, $0x2  }
0x1a: {  	s12 =	sshrl.u32 s23, $0x2;
	s11 =	sadd.s32 $0x1000, s10;
	s13 =	sadd.s32 $0x2000, s10  }
0x1b: {  	s23 =	simm.s32 $0x1;
	s12 =	sadd.s32 s12, s3;
	s3 =	sadd.s32 s25, s3  }
0x1c: {  	s25 =	simm.s32 $0x2000;
	s14 =	sadd.s32 $0x1000, s12;
	s15 =	sadd.s32 s15, s3  }
0x1d: {  	v0 =	vmov s31;
	s16 =	sadd.s32 $0x2000, s12;
	s17 =	sadd.s32 $0x1000, s15;
	s18 =	sadd.s32 $0x2000, s15  }
.LBB2_1:
0x1e: {  	s1 =	rddreg [dreg:$0x4]  }
0x1f: {  	[tilespmem:s2], [sflag:$0x1] =	stream.linear.gather [hbm4b:s1+s2], $0x1000, $0x38;
	[tilespmem:$0x5990] =	vst v63  }
0x20: {  	_ =	swait.ge [sflag:s23], $0x1000  }
0x21: {  	[sflag:s23] =	ssyncset.done $0x0  }
0x22: {  	[sflag:s23] =	ssyncadd.s32 $0xFFFFF000  }
0x23: {  	[tilespmem:s24], [sflag:$0x1] =	stream.linear.gather [hbm4b:s4+s2], $0x1000, $0x38;
	[tilespmem:$0x5990] =	vst v63  }
0x24: {  	_ =	swait.ge [sflag:s23], $0x1000  }
0x25: {  	[sflag:s23] =	ssyncset.done $0x0  }
0x26: {  	[sflag:s23] =	ssyncadd.s32 $0xFFFFF000  }
0x27: {  	[tilespmem:s25], [sflag:$0x1] =	stream.linear.gather [hbm4b:s5+s2], $0x1000, $0x38;
	[tilespmem:$0x5990] =	vst v63  }
0x28: {  	_ =	swait.ge [sflag:s23], $0x1000  }
0x29: {  	[sflag:s23] =	ssyncset.done $0x0  }
0x2a: {  	[sflag:s23] =	ssyncadd.s32 $0xFFFFF000  }
0x2b: {  	[tilespmem:s26], [sflag:$0x1] =	stream.linear.gather [hbm4b:s6+s2], $0x400, $0x38;
	[tilespmem:$0x5990] =	vst v63  }
0x2c: {  	_ =	swait.ge [sflag:s23], $0x400  }
0x2d: {  	[sflag:s23] =	ssyncset.done $0x0  }
0x2e: {  	[sflag:s23] =	ssyncadd.s32 $0xFFFFFC00  }
0x2f: {  	[tilespmem:s28], [sflag:$0x1] =	stream.linear.gather [hbm4b:s7+s2], $0x400, $0x38;
	[tilespmem:$0x5990] =	vst v63  }
0x30: {  	_ =	swait.ge [sflag:s23], $0x400  }
0x31: {  	[sflag:s23] =	ssyncset.done $0x0  }
0x32: {  	[sflag:s23] =	ssyncadd.s32 $0xFFFFFC00  }
0x33: {  	[tilespmem:s29], [sflag:$0x1] =	stream.linear.gather [hbm4b:s8+s2], $0x400, $0x38;
	[tilespmem:$0x5990] =	vst v63  }
0x34: {  	_ =	swait.ge [sflag:s23], $0x400  }
0x35: {  	[sflag:s23] =	ssyncset.done $0x0  }
0x36: {  	[sflag:s23] =	ssyncadd.s32 $0xFFFFFC00  }
0x37: {  	[tilespmem:s30], [sflag:$0x1] =	stream.linear.gather [hbm4b:s9+s2], $0x400, $0x38;
	[tilespmem:$0x5990] =	vst v63  }
0x38: {  	_ =	swait.ge [sflag:s23], $0x400  }
0x39: {  	[sflag:s23] =	ssyncset.done $0x0  }
0x3a: {  	s1 =	simm.s32 $0x0;
	[sflag:s23] =	ssyncadd.s32 $0xFFFFFC00  }
0x3b: {  	v1 =	vld [tilespmem:s1+$0x3C00];
	_ =	sdelay $0x6  }
0x3c: {  	v3 =	vld [tilespmem:s1+$0x3000]  }
0x3d: {  	v2 =	vld.idx.msk [tilespmem:v1+s2+$0x0], $0xffff;
	_ =	sdelay $0x4  }
0x3e: {  	v2 =	vsub.f32 v2, v3;
	_ =	sdelay $0x1  }
0x3f: {  	v2 =	vmul.f32 v2, v0;
	_ =	sdelay $0x1  }
0x40: {  	v3 =	vld [tilespmem:s1+$0x3400];
	[tilespmem:s1+$0x4000] =	vst v2  }
0x41: {  	v2 =	vld.idx.msk [tilespmem:v1+s24+$0x0], $0xffff;
	_ =	sdelay $0x4  }
0x42: {  	v2 =	vsub.f32 v2, v3;
	_ =	sdelay $0x1  }
0x43: {  	v2 =	vmul.f32 v2, v0;
	_ =	sdelay $0x1  }
0x44: {  	[tilespmem:s1+$0x4400] =	vst v2;
	v2 =	vld [tilespmem:s1+$0x3800]  }
0x45: {  	v1 =	vld.idx.msk [tilespmem:v1+s25+$0x0], $0xffff  }
0x46: {  	s3 =	simm.s32 $0x10;
	s31 =	simm.s32 $0x80  }
.LBB2_2:
0x47: {  	p1 =	sne.s32 s31, $0xFC0;
	v3 =	vld [tilespmem:s3+$0x3C00];
	_ =	sdelay $0x2  }
0x48: {  	v1 =	vsub.f32 v1, v2;
	_ =	sdelay $0x1  }
0x49: {  	v1 =	vmul.f32 v1, v0;
	_ =	sdelay $0x1  }
0x4a: {  	[tilespmem:s1+$0x4800] =	vst v1;
	s1 =	smov.u32 s3  }
0x4b: {  	v1 =	vld.idx.msk [tilespmem:v3+s2+$0x0], $0xffff  }
0x4c: {  	v2 =	vld [tilespmem:s1+$0x3000];
	_ =	sdelay $0x4  }
0x4d: {  	v1 =	vsub.f32 v1, v2;
	_ =	sdelay $0x1  }
0x4e: {  	v1 =	vmul.f32 v1, v0;
	_ =	sdelay $0x1  }
0x4f: {  	[tilespmem:s1+$0x4000] =	vst v1  }
0x50: {  	v1 =	vld.idx.msk [tilespmem:v3+s24+$0x0], $0xffff  }
0x51: {  	v2 =	vld [tilespmem:s1+$0x3400];
	_ =	sdelay $0x4  }
0x52: {  	v1 =	vsub.f32 v1, v2;
	_ =	sdelay $0x1  }
0x53: {  	v1 =	vmul.f32 v1, v0  }
.Ltmp0:
0x54: {  	(pc) =	sbr.rel @p1 .LBB2_2-.Ltmp0, $4  }
0x55: {  	[tilespmem:s1+$0x4400] =	vst v1  }
0x56: {  	v1 =	vld.idx.msk [tilespmem:v3+s25+$0x0], $0xffff  }
0x57: {  	v2 =	vld [tilespmem:s1+$0x3800]  }
0x58: {  	s3 =	sshra.s32 s31, $0x2;
	s31 =	sadd.s32 $0x40, s31  }
0x59: {  	v3 =	vld [tilespmem:s3+$0x3C00];
	_ =	sdelay $0x2  }
0x5a: {  	v1 =	vsub.f32 v1, v2;
	_ =	sdelay $0x1  }
0x5b: {  	v1 =	vmul.f32 v1, v0;
	_ =	sdelay $0x1  }
0x5c: {  	[tilespmem:s1+$0x4800] =	vst v1  }
0x5d: {  	v1 =	vld.idx.msk [tilespmem:v3+s2+$0x0], $0xffff  }
0x5e: {  	v2 =	vld [tilespmem:s3+$0x3000];
	_ =	sdelay $0x4  }
0x5f: {  	v1 =	vsub.f32 v1, v2;
	_ =	sdelay $0x1  }
0x60: {  	v1 =	vmul.f32 v1, v0;
	_ =	sdelay $0x1  }
0x61: {  	v2 =	vld [tilespmem:s3+$0x3400];
	[tilespmem:s3+$0x4000] =	vst v1  }
0x62: {  	v1 =	vld.idx.msk [tilespmem:v3+s24+$0x0], $0xffff;
	_ =	sdelay $0x4  }
0x63: {  	v1 =	vsub.f32 v1, v2;
	_ =	sdelay $0x1  }
0x64: {  	v1 =	vmul.f32 v1, v0;
	_ =	sdelay $0x1  }
0x65: {  	v2 =	vld [tilespmem:s3+$0x3800];
	[tilespmem:s3+$0x4400] =	vst v1  }
0x66: {  	v1 =	vld.idx.msk [tilespmem:v3+s25+$0x0], $0xffff;
	_ =	sdelay $0x4  }
0x67: {  	v1 =	vsub.f32 v1, v2;
	_ =	sdelay $0x1  }
0x68: {  	v1 =	vmul.f32 v1, v0;
	_ =	sdelay $0x1  }
0x69: {  	[tilespmem:s3+$0x4800] =	vst v1;
	s3 =	simm.s32 $0x4000  }
0x6a: {  	[spmem:s10] =	stream.linear.scatter [tilespmem:s3], [sflag:$0x1], $0x400, $0x38;
	[tilespmem:$0x5990] =	vst v63  }
0x6b: {  	_ =	swait.ge [sflag:s23], $0x400  }
0x6c: {  	[sflag:s23] =	ssyncset.done $0x0  }
0x6d: {  	s3 =	simm.s32 $0x4400;
	[sflag:s23] =	ssyncadd.s32 $0xFFFFFC00  }
0x6e: {  	[spmem:s11] =	stream.linear.scatter [tilespmem:s3], [sflag:$0x1], $0x400, $0x38;
	[tilespmem:$0x5990] =	vst v63  }
0x6f: {  	_ =	swait.ge [sflag:s23], $0x400  }
0x70: {  	[sflag:s23] =	ssyncset.done $0x0  }
0x71: {  	s3 =	simm.s32 $0x4800;
	[sflag:s23] =	ssyncadd.s32 $0xFFFFFC00  }
0x72: {  	[spmem:s13] =	stream.linear.scatter [tilespmem:s3], [sflag:$0x1], $0x400, $0x38;
	[tilespmem:$0x5990] =	vst v63  }
0x73: {  	_ =	swait.ge [sflag:s23], $0x400  }
0x74: {  	[sflag:s23] =	ssyncset.done $0x0  }
0x75: {  	[sflag:s23] =	ssyncadd.s32 $0xFFFFFC00  }
0x76: {  	s3 =	simm.s32 $0x0;
	[bflag:$0x0] =	sbarrier.arrive $0xFFFF  }
0x77: {  	[tilespmem:s3], [sflag:$0x1] =	stream.linear.gather [spmem:s12], $0x1000, $0x38;
	[tilespmem:$0x5990] =	vst v63  }
0x78: {  	_ =	swait.ge [sflag:s23], $0x1000  }
0x79: {  	[sflag:s23] =	ssyncset.done $0x0  }
0x7a: {  	[sflag:s23] =	ssyncadd.s32 $0xFFFFF000  }
0x7b: {  	[tilespmem:s24], [sflag:$0x1] =	stream.linear.gather [spmem:s14], $0x1000, $0x38;
	[tilespmem:$0x5990] =	vst v63  }
0x7c: {  	_ =	swait.ge [sflag:s23], $0x1000  }
0x7d: {  	[sflag:s23] =	ssyncset.done $0x0  }
0x7e: {  	[sflag:s23] =	ssyncadd.s32 $0xFFFFF000  }
0x7f: {  	[tilespmem:s25], [sflag:$0x1] =	stream.linear.gather [spmem:s16], $0x1000, $0x38;
	[tilespmem:$0x5990] =	vst v63  }
0x80: {  	_ =	swait.ge [sflag:s23], $0x1000  }
0x81: {  	[sflag:s23] =	ssyncset.done $0x0  }
0x82: {  	[sflag:s23] =	ssyncadd.s32 $0xFFFFF000  }
0x83: {  	[tilespmem:s26], [sflag:$0x1] =	stream.linear.gather [spmem:s15], $0x400, $0x38;
	[tilespmem:$0x5990] =	vst v63  }
0x84: {  	_ =	swait.ge [sflag:s23], $0x400  }
0x85: {  	[sflag:s23] =	ssyncset.done $0x0  }
0x86: {  	[sflag:s23] =	ssyncadd.s32 $0xFFFFFC00  }
0x87: {  	[tilespmem:s28], [sflag:$0x1] =	stream.linear.gather [spmem:s17], $0x400, $0x38;
	[tilespmem:$0x5990] =	vst v63  }
0x88: {  	_ =	swait.ge [sflag:s23], $0x400  }
0x89: {  	[sflag:s23] =	ssyncset.done $0x0  }
0x8a: {  	[sflag:s23] =	ssyncadd.s32 $0xFFFFFC00  }
0x8b: {  	[tilespmem:s29], [sflag:$0x1] =	stream.linear.gather [spmem:s18], $0x400, $0x38;
	[tilespmem:$0x5990] =	vst v63  }
0x8c: {  	_ =	swait.ge [sflag:s23], $0x400  }
0x8d: {  	[sflag:s23] =	ssyncset.done $0x0  }
0x8e: {  	[sflag:s23] =	ssyncadd.s32 $0xFFFFFC00  }
0x8f: {  	[tilespmem:s30], [sflag:$0x1] =	stream.linear.gather [hbm4b:s19+s3], $0x400, $0x38;
	[tilespmem:$0x5990] =	vst v63  }
0x90: {  	_ =	swait.ge [sflag:s23], $0x400  }
0x91: {  	[sflag:s23] =	ssyncset.done $0x0  }
0x92: {  	s3 =	simm.s32 $0x0;
	[sflag:s23] =	ssyncadd.s32 $0xFFFFFC00  }
0x93: {  	v2 =	vld [tilespmem:s3+$0x3C00];
	_ =	sdelay $0x5  }
0x94: {  	s1 =	simm.s32 $0x10;
	v5 =	vld [tilespmem:s3+$0x3000]  }
0x95: {  	v1 =	vld [tilespmem:s1+$0x3C00]  }
0x96: {  	v6 =	vld.idx.msk [tilespmem:v2+s2+$0x0], $0xffff  }
0x97: {  	v9 =	vld [tilespmem:s3+$0x3400]  }
0x98: {  	v8 =	vld.idx.msk [tilespmem:v2+s24+$0x0], $0xffff  }
0x99: {  	v4 =	vld [tilespmem:s3+$0x3800]  }
0x9a: {  	v3 =	vld.idx.msk [tilespmem:v2+s25+$0x0], $0xffff  }
0x9b: {  	v5 =	vsub.f32 v5, v6;
	_ =	sdelay $0x1  }
0x9c: {  	v2 =	vld [tilespmem:s1+$0x3000];
	v8 =	vsub.f32 v9, v8;
	v7 =	vmul.f32 v5, v5  }
0x9d: {  	s31 =	simm.s32 $0x20;
	s3 =	simm.s32 $0xC0;
	v6 =	vimm.f32 $0.0e+00;
	v5 =	vld.idx.msk [tilespmem:v1+s2+$0x0], $0xffff  }
.LBB2_4:
0x9e: {  	p1 =	sne.s32 s3, $0xFC0;
	v9 =	vld [tilespmem:s31+$0x3C00];
	v6 =	vadd.f32 v7, v6;
	v7 =	vmul.f32 v8, v8;
	v3 =	vsub.f32 v4, v3  }
0x9f: {  	v8 =	vld.idx.msk [tilespmem:v1+s24+$0x0], $0xffff  }
0xa0: {  	v10 =	vld [tilespmem:s1+$0x3400];
	v6 =	vadd.f32 v7, v6;
	v7 =	vmul.f32 v3, v3  }
0xa1: {  	v3 =	vld.idx.msk [tilespmem:v1+s25+$0x0], $0xffff  }
.Ltmp1:
0xa2: {  	v4 =	vld [tilespmem:s1+$0x3800];
	v6 =	vadd.f32 v7, v6;
	s1 =	smov.u32 s31;
	(pc) =	sbr.rel @p1 .LBB2_4-.Ltmp1, $3  }
0xa3: {  	v5 =	vsub.f32 v2, v5;
	v1 =	vmov v9;
	_ =	sdelay $0x1  }
0xa4: {  	v7 =	vmul.f32 v5, v5;
	v2 =	vld [tilespmem:s1+$0x3000];
	v8 =	vsub.f32 v10, v8  }
0xa5: {  	s31 =	sshra.s32 s3, $0x2;
	s3 =	sadd.s32 $0x40, s3;
	v5 =	vld.idx.msk [tilespmem:v9+s2+$0x0], $0xffff  }
0xa6: {  	_ = 	snop  }
0xa7: {  	v9 =	vld [tilespmem:s31+$0x3C00];
	_ =	sdelay $0x2  }
0xa8: {  	v10 =	vld.idx.msk [tilespmem:v1+s24+$0x0], $0xffff  }
0xa9: {  	v11 =	vld [tilespmem:s1+$0x3400]  }
0xaa: {  	v6 =	vadd.f32 v7, v6;
	v55 =	vmul.f32 v8, v8;
	v3 =	vsub.f32 v4, v3;
	v1 =	vld.idx.msk [tilespmem:v1+s25+$0x0], $0xffff  }
0xab: {  	v56 =	vld [tilespmem:s1+$0x3800]  }
0xac: {  	v57 =	vld [tilespmem:s31+$0x3000];
	v6 =	vadd.f32 v55, v6;
	v3 =	vmul.f32 v3, v3;
	v2 =	vsub.f32 v2, v5  }
0xad: {  	v58 =	vld.idx.msk [tilespmem:v9+s2+$0x0], $0xffff  }
0xae: {  	v61 =	vld [tilespmem:s31+$0x3400];
	v3 =	vadd.f32 v3, v6;
	v59 =	vsub.f32 v11, v10;
	v2 =	vmul.f32 v2, v2  }
0xaf: {  	v60 =	vld.idx.msk [tilespmem:v9+s24+$0x0], $0xffff  }
0xb0: {  	v63 =	vld [tilespmem:s31+$0x3800];
	v1 =	vsub.f32 v56, v1;
	v2 =	vadd.f32 v2, v3;
	v3 =	vmul.f32 v59, v59  }
0xb1: {  	v62 =	vld.idx.msk [tilespmem:v9+s25+$0x0], $0xffff  }
0xb2: {  	v1 =	vmul.f32 v1, v1;
	v2 =	vadd.f32 v3, v2;
	v3 =	vsub.f32 v57, v58;
	_ =	sdelay $0x1  }
0xb3: {  	v1 =	vadd.f32 v1, v2;
	v2 =	vmul.f32 v3, v3;
	v3 =	vsub.f32 v61, v60;
	_ =	sdelay $0x1  }
0xb4: {  	v1 =	vadd.f32 v2, v1;
	v2 =	vmul.f32 v3, v3;
	v3 =	vsub.f32 v63, v62;
	_ =	sdelay $0x1  }
0xb5: {  	v1 =	vadd.f32 v2, v1;
	v2 =	vmul.f32 v3, v3;
	_ =	sdelay $0x1  }
0xb6: {  	v1 =	vadd.f32 v2, v1;
	_ =	sdelay $0x1  }
0xb7: {  	s31 =	simm.s32 $0x4C00;
	[tilespmem:$0x4C00] =	vst v1  }
0xb8: {  	[spmem:s20] =	stream.linear.scatter [tilespmem:s31], [sflag:$0x1], $0x10, $0x38;
	[tilespmem:$0x5990] =	vst v63  }
0xb9: {  	_ =	swait.ge [sflag:s23], $0x10  }
0xba: {  	[sflag:s23] =	ssyncset.done $0x0  }
0xbb: {  	[sflag:s23] =	ssyncadd.s32 $0xFFFFFFF0  }
0xbc: {  	[bflag:$0x0] =	sbarrier.arrive $0xFFFF  }
0xbd: {  	s1 =	simm.s32 @!p0 $0x4C80;
	s3 =	rddreg [dreg:$0x2]  }
0xbe: {  	[tilespmem:s1], [sflag:$0x1] =	stream.linear.gather @!p0 [spmem:s3], $0x100, $0x38;
	[tilespmem:$0x5990] =	vst v63  }
0xbf: {  	s1 =	simm.s32 @!p0 $0x1  }
0xc0: {  	_ =	swait.ge @!p0 [sflag:s1], $0x100  }
0xc1: {  	[sflag:s1] =	ssyncset.done @!p0 $0x0  }
0xc2: {  	[sflag:s1] =	ssyncadd.s32 @!p0 $0xFFFFFF00  }
0xc3: {  	v1 =	vld @!p0 [tilespmem:$0x4C80];
	_ =	sdelay $0x1  }
0xc4: {  	v2 =	vld @!p0 [tilespmem:$0x4C90];
	_ =	sdelay $0x1  }
0xc5: {  	v3 =	vld @!p0 [tilespmem:$0x4CA0]  }
0xc6: {  	v1 =	vadd.f32 @!p0 $0.0e+00, v1  }
0xc7: {  	v4 =	vld @!p0 [tilespmem:$0x4CB0]  }
0xc8: {  	v1 =	vadd.f32 @!p0 v2, v1  }
0xc9: {  	v2 =	vld @!p0 [tilespmem:$0x4CC0]  }
0xca: {  	v1 =	vadd.f32 @!p0 v3, v1  }
0xcb: {  	v3 =	vld @!p0 [tilespmem:$0x4CD0]  }
0xcc: {  	v1 =	vadd.f32 @!p0 v4, v1  }
0xcd: {  	v4 =	vld @!p0 [tilespmem:$0x4CE0]  }
0xce: {  	v1 =	vadd.f32 @!p0 v2, v1  }
0xcf: {  	v2 =	vld @!p0 [tilespmem:$0x4CF0]  }
0xd0: {  	v1 =	vadd.f32 @!p0 v3, v1  }
0xd1: {  	v3 =	vld @!p0 [tilespmem:$0x4D00]  }
0xd2: {  	v1 =	vadd.f32 @!p0 v4, v1  }
0xd3: {  	v4 =	vld @!p0 [tilespmem:$0x4D10]  }
0xd4: {  	v1 =	vadd.f32 @!p0 v2, v1  }
0xd5: {  	v2 =	vld @!p0 [tilespmem:$0x4D20]  }
0xd6: {  	v1 =	vadd.f32 @!p0 v3, v1  }
0xd7: {  	v3 =	vld @!p0 [tilespmem:$0x4D30]  }
0xd8: {  	v1 =	vadd.f32 @!p0 v4, v1  }
0xd9: {  	v4 =	vld @!p0 [tilespmem:$0x4D40]  }
0xda: {  	v1 =	vadd.f32 @!p0 v2, v1  }
0xdb: {  	v2 =	vld @!p0 [tilespmem:$0x4D50]  }
0xdc: {  	v1 =	vadd.f32 @!p0 v3, v1  }
0xdd: {  	v3 =	vld @!p0 [tilespmem:$0x4D60]  }
0xde: {  	v1 =	vadd.f32 @!p0 v4, v1  }
0xdf: {  	v4 =	vld @!p0 [tilespmem:$0x4D70]  }
0xe0: {  	v1 =	vadd.f32 @!p0 v2, v1;
	_ =	sdelay $0x1  }
0xe1: {  	v1 =	vadd.f32 @!p0 v3, v1;
	_ =	sdelay $0x1  }
0xe2: {  	v1 =	vadd.f32 @!p0 v4, v1;
	_ =	sdelay $0x1  }
0xe3: {  	(xrf2) =	vadd.scan.msk.f32 @!p0 $0xffff, v1;
	_ =	sdelay $0x9  }
0xe4: {  	v1, _, _ =	vpop @!p0 (xrf2)  }
0xe5: {  	(v2sf) =	vpush @!p0 v1, $0xF;
	_ =	sdelay $0xe  }
0xe6: {  	s3 =	spop @!p0 (v2sf)  }
0xe7: {  	s3 =	smul.f32 @!p0 $3.051757810e-05, s3  }
0xe8: {  	s0 =	sadd.s32 $0x1, s0  }
0xe9: {  	p1 =	sne.s32 s0, s22;
	v1 =	vmov @!p0 s3  }
.Ltmp2:
0xea: {  	s31 =	simm.s32 @!p0 $0x4C00;
	s3 =	simm.s32 @!p0 $0x0;
	[tilespmem:$0x4C00] =	vst @!p0 v1;
	(pc) =	sbr.rel @p1 .LBB2_1-.Ltmp2, $4  }
0xeb: {  	[hbm4b:s21+s3] =	stream.linear.scatter @!p0 [tilespmem:s31], [sflag:$0x1], $0x10, $0x38;
	[tilespmem:$0x5990] =	vst v63  }
0xec: {  	_ =	swait.ge @!p0 [sflag:s1], $0x10  }
0xed: {  	[sflag:s1] =	ssyncset.done @!p0 $0x0  }
0xee: {  	[sflag:s1] =	ssyncadd.s32 @!p0 $0xFFFFFFF0  }
0xef: {  	_ =	sfence.sel $0x180000  }
0xf0: {  	[bflag:$0x0] =	sbarrier.arrive $0xFFFF  }
0xf1: {  	_ =	strace $0x90000047  }
0xf2: {  	[bflag:$0x2] =	sbarrier.arrive $0xFFFF  }
0xf3: {  	s0 =	rddreg [dreg:$0x3]  }
0xf4: {  	s0 =	sadd.s32 @!p0 $0x100000, s0  }
0xf5: {  	[sflag:s0] =	ssyncadd.tile.s32 @!p0 $0x1;
	_ =	shalt  }
.Lfunc_end2:
_tile_overlayer_lowered:
.L_overlay_start_2:
0xf6: {  	(tag) =	ssettag $0x2  }
0xf7: {  	s0 =	rddreg [dreg:$0x0];
	s2 =	stileid.u32  }
0xf8: {  	s1 =	rddreg [dreg:$0x1];
	p0 =	sne.s32 s2, $0x0  }
0xf9: {  	s3 =	rddreg [dreg:$0x2];
	[bflag:$0x3] =	sbarrier.arrive $0xFFFF;
	s2 =	simm.s32 @!p0 $0x1C01  }
0xfa: {  	[timem:s3], [sflag:s2] =	dma.local @!p0 [hbm:s0], s1  }
0xfb: {  	s0 =	simm.s32 @!p0 $0x1  }
0xfc: {  	_ =	swait.ge @!p0 [sflag:s0], s1  }
0xfd: {  	s1 =	ssub.s32 @!p0 $0x0, s1;
	[sflag:s0] =	ssyncset.done @!p0 $0x0  }
0xfe: {  	[sflag:s0] =	ssyncadd.s32 @!p0 s1  }
0xff: {  	[bflag:$0x3] =	sbarrier.arrive $0xFFFF  }
0x100: {  	_ =	shalt  }

</sc_bundles>
